<compile_context>
chip_gen: v7x
topology: tpu7x:2x2x1
jax: 0.10.2.dev20260603
libtpu: 0.0.44.dev20260713+nightly
codegen_flags: <defaults>
</compile_context>

<pallas_src>
import functools

import jax
import jax.numpy as jnp
from jax import lax
from jax.experimental import pallas as pl
from jax.experimental.pallas import tpu as pltpu
from jax.experimental.pallas import tpu_sc as plsc

BATCH = 4
SEQ = 8192
HIDDEN = 1024
NUM_WORKERS = 32
TOTAL = BATCH * SEQ
PER_WORKER = TOTAL // NUM_WORKERS
W = 32
NBUF = 2
SKEW = NBUF - 1
NCH = PER_WORKER // W
STEADY_END = NBUF + ((NCH - NBUF) // NBUF) * NBUF


def _gather_kernel(idx_hbm, table_hbm, out_hbm, idx_v, rows, gsems, wsems):
    wid = lax.axis_index("s") * 2 + lax.axis_index("c")
    base = wid * PER_WORKER

    pltpu.sync_copy(idx_hbm.at[wid], idx_v)

    def start_gather(j, b):
        pltpu.async_copy(table_hbm.at[idx_v.at[j]], rows.at[b], gsems.at[b])

    def wait_gather(b):
        pltpu.make_async_copy(table_hbm.at[idx_v.at[0]], rows.at[b],
                              gsems.at[b]).wait()

    def start_writeback(j, b):
        pltpu.async_copy(rows.at[b], out_hbm.at[pl.ds(base + j * W, W)],
                         wsems.at[b])

    def wait_writeback(b):
        pltpu.make_async_copy(rows.at[b], out_hbm.at[pl.ds(base, W)],
                              wsems.at[b]).wait()

    def slot(j, u, first=False):
        bg = (u + SKEW) % NBUF
        if not first:
            wait_writeback(bg)
        start_gather(j + SKEW, bg)
        wait_gather(u)
        start_writeback(j, u)

    for b in range(SKEW):
        start_gather(b, b)

    for u in range(NBUF):
        slot(u, u, first=(u == 0))

    @pl.loop(NBUF, STEADY_END, step=NBUF)
    def _(i):
        for u in range(NBUF):
            slot(i + u, u)

    for j in range(STEADY_END, NCH):
        slot(j, j % NBUF)

    wait_writeback((NCH - 1) % NBUF)
    for t in range(SKEW):
        wait_gather((NCH + t) % NBUF)


def kernel(position_ids, table):
    ids = position_ids.reshape(NUM_WORKERS, NCH, W).astype(jnp.int32)
    ids = jnp.pad(ids, ((0, 0), (0, SKEW), (0, 0)))

    mesh = plsc.VectorSubcoreMesh(core_axis_name="c", subcore_axis_name="s")

    run = functools.partial(
        pl.kernel,
        mesh=mesh,
        out_type=jax.ShapeDtypeStruct((TOTAL, HIDDEN), jnp.float32),
        scratch_types=[
            pltpu.VMEM((NCH + SKEW, W), jnp.int32),
            pltpu.VMEM((NBUF, W, HIDDEN), jnp.float32),
            pltpu.SemaphoreType.DMA((NBUF,)),
            pltpu.SemaphoreType.DMA((NBUF,)),
        ],
    )(_gather_kernel)

    out = run(ids, table)
    return out.reshape(BATCH, SEQ, HIDDEN)

# --- scband reference (transcript-rebuilt; emitter-appended) ---
"""Pipeline reference for scband-position-embedding-32263794327905 (READ-ONLY COPY).

The authoritative reference and input builder live on the scoring server;
editing this copy changes nothing except your own understanding.
"""

import jax, jax.numpy as jnp
import numpy as np

MAX_POS = 8192
HIDDEN = 1024
BATCH = 4
SEQ = 8192

def setup_inputs(seed: int = 0) -> dict:
    key = jax.random.key(seed)
    k_ids, k_tab = jax.random.split(key)
    position_ids = jax.random.randint(k_ids, (BATCH, SEQ), 0, MAX_POS, dtype=jnp.int64 if jax.config.jax_enable_x64 else jnp.int32)
    table = jax.random.normal(k_tab, (MAX_POS, HIDDEN), dtype=jnp.float32) * 0.1
    return {"position_ids": position_ids, "table": table}

def reference(position_ids, table):
    # nn.Embedding lookup: [B, S] -> [B, S, H]; dropout p=0.0 is identity
    embeddings = jnp.take(table, position_ids, axis=0)
    return embeddings

if __name__ == "__main__":
    import jax
    _d = setup_inputs()
    print(jax.jit(kernel)(*tuple(_d.values())))

</pallas_src>

<mosaic_0001>
#map = affine_map<(d0, d1) -> (0, 0, 0)>
#map1 = affine_map<(d0, d1) -> (0, 0)>
module attributes {stable_mosaic.version = 14 : i64} {
  func.func @_gather_kernel(%arg0: i32, %arg1: i32, %arg2: memref<32x33x32xi32, #tpu.memory_space<hbm>>, %arg3: memref<8192x1024xf32, #tpu.memory_space<hbm>>, %arg4: memref<32768x1024xf32, #tpu.memory_space<hbm>>, %arg5: memref<33x32xi32, #tpu.memory_space<vmem>>, %arg6: memref<2x32x1024xf32, #tpu.memory_space<vmem>>, %arg7: memref<2x!tpu.dma_semaphore, #tpu.memory_space<semaphore_mem>>, %arg8: memref<2x!tpu.dma_semaphore, #tpu.memory_space<semaphore_mem>>) attributes {dimension_semantics = [#tpu.dimension_semantics<core_parallel>, #tpu.dimension_semantics<subcore_parallel>], iteration_bounds = array<i64: 2, 16>, scalar_prefetch = 0 : i64, scratch_operands = 4 : i64, tpu.core_type = #tpu.core_type<sc_vector_subcore>, window_params = [{transform_indices = #map}, {transform_indices = #map1}, {transform_indices = #map1}]} {
    %mul3A = arith.constant 2 : i32
    %mul3A_0 = arith.muli %arg1, %mul3A : i32
    %add3A = arith.addi %mul3A_0, %arg0 : i32
    %mul3A_1 = arith.constant 1024 : i32
    %mul3A_2 = arith.muli %add3A, %mul3A_1 : i32
    "tpu.region"() ({
      %run_scoped3A = tpu.sem_alloc : memref<!tpu.dma_semaphore, #tpu.memory_space<semaphore_mem>>
      %dma_start3A_163 = arith.constant 0 : i32
      %dma_start3A_164 = arith.constant 0 : i32
      %dma_start3A_165 = tpu.memref_slice %arg2[%add3A, %dma_start3A_163, %dma_start3A_164] : memref<32x33x32xi32, #tpu.memory_space<hbm>> -> memref<1x33x32xi32, #tpu.memory_space<hbm>>
      %dma_start3A_166 = tpu.memref_squeeze %dma_start3A_165 : memref<1x33x32xi32, #tpu.memory_space<hbm>> -> memref<33x32xi32, #tpu.memory_space<hbm>>
      %dma_start3A_167 = arith.constant 0 : i32
      %dma_start3A_168 = arith.constant 0 : i32
      %dma_start3A_169 = tpu.memref_slice %arg2[%add3A, %dma_start3A_167, %dma_start3A_168] : memref<32x33x32xi32, #tpu.memory_space<hbm>> -> memref<1x33x32xi32, #tpu.memory_space<hbm>>
      %dma_start3A_170 = tpu.memref_squeeze %dma_start3A_169 : memref<1x33x32xi32, #tpu.memory_space<hbm>> -> memref<33x32xi32, #tpu.memory_space<hbm>>
      tpu.enqueue_dma source(%dma_start3A_170 : memref<33x32xi32, #tpu.memory_space<hbm>>) target(%arg5 : memref<33x32xi32, #tpu.memory_space<vmem>>) target_semaphore(%run_scoped3A : memref<!tpu.dma_semaphore, #tpu.memory_space<semaphore_mem>>)
      %dma_wait3A_171 = arith.constant 0 : i32
      %dma_wait3A_172 = arith.constant 0 : i32
      %dma_wait3A_173 = tpu.memref_slice %arg2[%add3A, %dma_wait3A_171, %dma_wait3A_172] : memref<32x33x32xi32, #tpu.memory_space<hbm>> -> memref<1x33x32xi32, #tpu.memory_space<hbm>>
      %dma_wait3A_174 = tpu.memref_squeeze %dma_wait3A_173 : memref<1x33x32xi32, #tpu.memory_space<hbm>> -> memref<33x32xi32, #tpu.memory_space<hbm>>
      %dma_wait3A_175 = arith.constant 0 : i32
      %dma_wait3A_176 = arith.constant 0 : i32
      %dma_wait3A_177 = tpu.memref_slice %arg2[%add3A, %dma_wait3A_175, %dma_wait3A_176] : memref<32x33x32xi32, #tpu.memory_space<hbm>> -> memref<1x33x32xi32, #tpu.memory_space<hbm>>
      %dma_wait3A_178 = tpu.memref_squeeze %dma_wait3A_177 : memref<1x33x32xi32, #tpu.memory_space<hbm>> -> memref<33x32xi32, #tpu.memory_space<hbm>>
      tpu.wait_dma2 semaphore(%run_scoped3A : memref<!tpu.dma_semaphore, #tpu.memory_space<semaphore_mem>>) src(%dma_wait3A_178 : memref<33x32xi32, #tpu.memory_space<hbm>>) dst(%arg5 : memref<33x32xi32, #tpu.memory_space<vmem>>)
      tpu.yield
    }) : () -> ()
    %dma_start3A = arith.constant 0 : i32
    %dma_start3A_3 = arith.constant 0 : i32
    %dma_start3A_4 = arith.constant 0 : i32
    %dma_start3A_5 = arith.constant 0 : i32
    %dma_start3A_6 = arith.constant 0 : i32
    %dma_start3A_7 = tpu.memref_slice %arg6[%dma_start3A_3, %dma_start3A_5, %dma_start3A_6] : memref<2x32x1024xf32, #tpu.memory_space<vmem>> -> memref<1x32x1024xf32, #tpu.memory_space<vmem>>
    %dma_start3A_8 = tpu.memref_squeeze %dma_start3A_7 : memref<1x32x1024xf32, #tpu.memory_space<vmem>> -> memref<32x1024xf32, #tpu.memory_space<vmem>>
    %dma_start3A_9 = arith.constant 0 : i32
    %dma_start3A_10 = tpu.memref_slice %arg5[%dma_start3A, %dma_start3A_9] : memref<33x32xi32, #tpu.memory_space<vmem>> -> memref<1x32xi32, #tpu.memory_space<vmem>>
    %dma_start3A_11 = tpu.memref_squeeze %dma_start3A_10 : memref<1x32xi32, #tpu.memory_space<vmem>> -> memref<32xi32, #tpu.memory_space<vmem>>
    %dma_start3A_12 = arith.constant 0 : i32
    %dma_start3A_13 = arith.constant 0 : i32
    %dma_start3A_14 = tpu.memref_slice %arg3[%dma_start3A_12, %dma_start3A_13] : memref<8192x1024xf32, #tpu.memory_space<hbm>> -> memref<8192x1024xf32, #tpu.memory_space<hbm>>
    %dma_start3A_15 = tpu.memref_slice %arg7[%dma_start3A_4] : memref<2x!tpu.dma_semaphore, #tpu.memory_space<semaphore_mem>> -> memref<1x!tpu.dma_semaphore, #tpu.memory_space<semaphore_mem>>
    %dma_start3A_16 = tpu.memref_squeeze %dma_start3A_15 : memref<1x!tpu.dma_semaphore, #tpu.memory_space<semaphore_mem>> -> memref<!tpu.dma_semaphore, #tpu.memory_space<semaphore_mem>>
    tpu.enqueue_indirect_dma source(%dma_start3A_14 : memref<8192x1024xf32, #tpu.memory_space<hbm>>) target(%dma_start3A_8 : memref<32x1024xf32, #tpu.memory_space<vmem>>) offsets(%dma_start3A_11 : memref<32xi32, #tpu.memory_space<vmem>>) semaphore(%dma_start3A_16 : memref<!tpu.dma_semaphore, #tpu.memory_space<semaphore_mem>>)
    %dma_start3A_17 = arith.constant 1 : i32
    %dma_start3A_18 = arith.constant 1 : i32
    %dma_start3A_19 = arith.constant 1 : i32
    %dma_start3A_20 = arith.constant 0 : i32
    %dma_start3A_21 = arith.constant 0 : i32
    %dma_start3A_22 = tpu.memref_slice %arg6[%dma_start3A_18, %dma_start3A_20, %dma_start3A_21] : memref<2x32x1024xf32, #tpu.memory_space<vmem>> -> memref<1x32x1024xf32, #tpu.memory_space<vmem>>
    %dma_start3A_23 = tpu.memref_squeeze %dma_start3A_22 : memref<1x32x1024xf32, #tpu.memory_space<vmem>> -> memref<32x1024xf32, #tpu.memory_space<vmem>>
    %dma_start3A_24 = arith.constant 0 : i32
    %dma_start3A_25 = tpu.memref_slice %arg5[%dma_start3A_17, %dma_start3A_24] : memref<33x32xi32, #tpu.memory_space<vmem>> -> memref<1x32xi32, #tpu.memory_space<vmem>>
    %dma_start3A_26 = tpu.memref_squeeze %dma_start3A_25 : memref<1x32xi32, #tpu.memory_space<vmem>> -> memref<32xi32, #tpu.memory_space<vmem>>
    %dma_start3A_27 = arith.constant 0 : i32
    %dma_start3A_28 = arith.constant 0 : i32
    %dma_start3A_29 = tpu.memref_slice %arg3[%dma_start3A_27, %dma_start3A_28] : memref<8192x1024xf32, #tpu.memory_space<hbm>> -> memref<8192x1024xf32, #tpu.memory_space<hbm>>
    %dma_start3A_30 = tpu.memref_slice %arg7[%dma_start3A_19] : memref<2x!tpu.dma_semaphore, #tpu.memory_space<semaphore_mem>> -> memref<1x!tpu.dma_semaphore, #tpu.memory_space<semaphore_mem>>
    %dma_start3A_31 = tpu.memref_squeeze %dma_start3A_30 : memref<1x!tpu.dma_semaphore, #tpu.memory_space<semaphore_mem>> -> memref<!tpu.dma_semaphore, #tpu.memory_space<semaphore_mem>>
    tpu.enqueue_indirect_dma source(%dma_start3A_29 : memref<8192x1024xf32, #tpu.memory_space<hbm>>) target(%dma_start3A_23 : memref<32x1024xf32, #tpu.memory_space<vmem>>) offsets(%dma_start3A_26 : memref<32xi32, #tpu.memory_space<vmem>>) semaphore(%dma_start3A_31 : memref<!tpu.dma_semaphore, #tpu.memory_space<semaphore_mem>>)
    %dma_wait3A = arith.constant 0 : i32
    %dma_wait3A_32 = arith.constant 0 : i32
    %dma_wait3A_33 = arith.constant 0 : i32
    %dma_wait3A_34 = arith.constant 0 : i32
    %dma_wait3A_35 = arith.constant 0 : i32
    %dma_wait3A_36 = tpu.memref_slice %arg6[%dma_wait3A_32, %dma_wait3A_34, %dma_wait3A_35] : memref<2x32x1024xf32, #tpu.memory_space<vmem>> -> memref<1x32x1024xf32, #tpu.memory_space<vmem>>
    %dma_wait3A_37 = tpu.memref_squeeze %dma_wait3A_36 : memref<1x32x1024xf32, #tpu.memory_space<vmem>> -> memref<32x1024xf32, #tpu.memory_space<vmem>>
    %dma_wait3A_38 = arith.constant 0 : i32
    %dma_wait3A_39 = tpu.memref_slice %arg5[%dma_wait3A, %dma_wait3A_38] : memref<33x32xi32, #tpu.memory_space<vmem>> -> memref<1x32xi32, #tpu.memory_space<vmem>>
    %dma_wait3A_40 = tpu.memref_squeeze %dma_wait3A_39 : memref<1x32xi32, #tpu.memory_space<vmem>> -> memref<32xi32, #tpu.memory_space<vmem>>
    %dma_wait3A_41 = arith.constant 0 : i32
    %dma_wait3A_42 = arith.constant 0 : i32
    %dma_wait3A_43 = tpu.memref_slice %arg3[%dma_wait3A_41, %dma_wait3A_42] : memref<8192x1024xf32, #tpu.memory_space<hbm>> -> memref<8192x1024xf32, #tpu.memory_space<hbm>>
    %dma_wait3A_44 = tpu.memref_slice %arg7[%dma_wait3A_33] : memref<2x!tpu.dma_semaphore, #tpu.memory_space<semaphore_mem>> -> memref<1x!tpu.dma_semaphore, #tpu.memory_space<semaphore_mem>>
    %dma_wait3A_45 = tpu.memref_squeeze %dma_wait3A_44 : memref<1x!tpu.dma_semaphore, #tpu.memory_space<semaphore_mem>> -> memref<!tpu.dma_semaphore, #tpu.memory_space<semaphore_mem>>
    tpu.wait_indirect_dma semaphore(%dma_wait3A_45 : memref<!tpu.dma_semaphore, #tpu.memory_space<semaphore_mem>>) src(%dma_wait3A_43 : memref<8192x1024xf32, #tpu.memory_space<hbm>>) dst(%dma_wait3A_37 : memref<32x1024xf32, #tpu.memory_space<vmem>>)
    %add3A_46 = arith.constant 0 : i32
    %add3A_47 = arith.addi %mul3A_2, %add3A_46 : i32
    %dma_start3A_48 = arith.constant 0 : i32
    %dma_start3A_49 = arith.constant 0 : i32
    %dma_start3A_50 = arith.constant 0 : i32
    %dma_start3A_51 = arith.constant 0 : i32
    %dma_start3A_52 = tpu.memref_slice %arg6[%dma_start3A_48, %dma_start3A_50, %dma_start3A_51] : memref<2x32x1024xf32, #tpu.memory_space<vmem>> -> memref<1x32x1024xf32, #tpu.memory_space<vmem>>
    %dma_start3A_53 = tpu.memref_squeeze %dma_start3A_52 : memref<1x32x1024xf32, #tpu.memory_space<vmem>> -> memref<32x1024xf32, #tpu.memory_space<vmem>>
    %dma_start3A_54 = arith.constant 0 : i32
    %dma_start3A_55 = tpu.memref_slice %arg4[%add3A_47, %dma_start3A_54] : memref<32768x1024xf32, #tpu.memory_space<hbm>> -> memref<32x1024xf32, #tpu.memory_space<hbm>>
    %dma_start3A_56 = tpu.memref_slice %arg8[%dma_start3A_49] : memref<2x!tpu.dma_semaphore, #tpu.memory_space<semaphore_mem>> -> memref<1x!tpu.dma_semaphore, #tpu.memory_space<semaphore_mem>>
    %dma_start3A_57 = tpu.memref_squeeze %dma_start3A_56 : memref<1x!tpu.dma_semaphore, #tpu.memory_space<semaphore_mem>> -> memref<!tpu.dma_semaphore, #tpu.memory_space<semaphore_mem>>
    %dma_start3A_58 = arith.constant 0 : i32
    %dma_start3A_59 = tpu.memref_slice %arg4[%add3A_47, %dma_start3A_58] : memref<32768x1024xf32, #tpu.memory_space<hbm>> -> memref<32x1024xf32, #tpu.memory_space<hbm>>
    %dma_start3A_60 = arith.constant 0 : i32
    %dma_start3A_61 = arith.constant 0 : i32
    %dma_start3A_62 = tpu.memref_slice %arg6[%dma_start3A_48, %dma_start3A_60, %dma_start3A_61] : memref<2x32x1024xf32, #tpu.memory_space<vmem>> -> memref<1x32x1024xf32, #tpu.memory_space<vmem>>
    %dma_start3A_63 = tpu.memref_squeeze %dma_start3A_62 : memref<1x32x1024xf32, #tpu.memory_space<vmem>> -> memref<32x1024xf32, #tpu.memory_space<vmem>>
    tpu.enqueue_dma source(%dma_start3A_63 : memref<32x1024xf32, #tpu.memory_space<vmem>>) target(%dma_start3A_59 : memref<32x1024xf32, #tpu.memory_space<hbm>>) target_semaphore(%dma_start3A_57 : memref<!tpu.dma_semaphore, #tpu.memory_space<semaphore_mem>>)
    %dma_wait3A_64 = arith.constant 0 : i32
    %dma_wait3A_65 = arith.constant 0 : i32
    %dma_wait3A_66 = arith.constant 0 : i32
    %dma_wait3A_67 = arith.constant 0 : i32
    %dma_wait3A_68 = tpu.memref_slice %arg6[%dma_wait3A_64, %dma_wait3A_66, %dma_wait3A_67] : memref<2x32x1024xf32, #tpu.memory_space<vmem>> -> memref<1x32x1024xf32, #tpu.memory_space<vmem>>
    %dma_wait3A_69 = tpu.memref_squeeze %dma_wait3A_68 : memref<1x32x1024xf32, #tpu.memory_space<vmem>> -> memref<32x1024xf32, #tpu.memory_space<vmem>>
    %dma_wait3A_70 = arith.constant 0 : i32
    %dma_wait3A_71 = tpu.memref_slice %arg4[%mul3A_2, %dma_wait3A_70] : memref<32768x1024xf32, #tpu.memory_space<hbm>> -> memref<32x1024xf32, #tpu.memory_space<hbm>>
    %dma_wait3A_72 = tpu.memref_slice %arg8[%dma_wait3A_65] : memref<2x!tpu.dma_semaphore, #tpu.memory_space<semaphore_mem>> -> memref<1x!tpu.dma_semaphore, #tpu.memory_space<semaphore_mem>>
    %dma_wait3A_73 = tpu.memref_squeeze %dma_wait3A_72 : memref<1x!tpu.dma_semaphore, #tpu.memory_space<semaphore_mem>> -> memref<!tpu.dma_semaphore, #tpu.memory_space<semaphore_mem>>
    %dma_wait3A_74 = arith.constant 0 : i32
    %dma_wait3A_75 = tpu.memref_slice %arg4[%mul3A_2, %dma_wait3A_74] : memref<32768x1024xf32, #tpu.memory_space<hbm>> -> memref<32x1024xf32, #tpu.memory_space<hbm>>
    %dma_wait3A_76 = arith.constant 0 : i32
    %dma_wait3A_77 = arith.constant 0 : i32
    %dma_wait3A_78 = tpu.memref_slice %arg6[%dma_wait3A_64, %dma_wait3A_76, %dma_wait3A_77] : memref<2x32x1024xf32, #tpu.memory_space<vmem>> -> memref<1x32x1024xf32, #tpu.memory_space<vmem>>
    %dma_wait3A_79 = tpu.memref_squeeze %dma_wait3A_78 : memref<1x32x1024xf32, #tpu.memory_space<vmem>> -> memref<32x1024xf32, #tpu.memory_space<vmem>>
    tpu.wait_dma2 semaphore(%dma_wait3A_73 : memref<!tpu.dma_semaphore, #tpu.memory_space<semaphore_mem>>) src(%dma_wait3A_79 : memref<32x1024xf32, #tpu.memory_space<vmem>>) dst(%dma_wait3A_75 : memref<32x1024xf32, #tpu.memory_space<hbm>>)
    %dma_start3A_80 = arith.constant 2 : i32
    %dma_start3A_81 = arith.constant 0 : i32
    %dma_start3A_82 = arith.constant 0 : i32
    %dma_start3A_83 = arith.constant 0 : i32
    %dma_start3A_84 = arith.constant 0 : i32
    %dma_start3A_85 = tpu.memref_slice %arg6[%dma_start3A_81, %dma_start3A_83, %dma_start3A_84] : memref<2x32x1024xf32, #tpu.memory_space<vmem>> -> memref<1x32x1024xf32, #tpu.memory_space<vmem>>
    %dma_start3A_86 = tpu.memref_squeeze %dma_start3A_85 : memref<1x32x1024xf32, #tpu.memory_space<vmem>> -> memref<32x1024xf32, #tpu.memory_space<vmem>>
    %dma_start3A_87 = arith.constant 0 : i32
    %dma_start3A_88 = tpu.memref_slice %arg5[%dma_start3A_80, %dma_start3A_87] : memref<33x32xi32, #tpu.memory_space<vmem>> -> memref<1x32xi32, #tpu.memory_space<vmem>>
    %dma_start3A_89 = tpu.memref_squeeze %dma_start3A_88 : memref<1x32xi32, #tpu.memory_space<vmem>> -> memref<32xi32, #tpu.memory_space<vmem>>
    %dma_start3A_90 = arith.constant 0 : i32
    %dma_start3A_91 = arith.constant 0 : i32
    %dma_start3A_92 = tpu.memref_slice %arg3[%dma_start3A_90, %dma_start3A_91] : memref<8192x1024xf32, #tpu.memory_space<hbm>> -> memref<8192x1024xf32, #tpu.memory_space<hbm>>
    %dma_start3A_93 = tpu.memref_slice %arg7[%dma_start3A_82] : memref<2x!tpu.dma_semaphore, #tpu.memory_space<semaphore_mem>> -> memref<1x!tpu.dma_semaphore, #tpu.memory_space<semaphore_mem>>
    %dma_start3A_94 = tpu.memref_squeeze %dma_start3A_93 : memref<1x!tpu.dma_semaphore, #tpu.memory_space<semaphore_mem>> -> memref<!tpu.dma_semaphore, #tpu.memory_space<semaphore_mem>>
    tpu.enqueue_indirect_dma source(%dma_start3A_92 : memref<8192x1024xf32, #tpu.memory_space<hbm>>) target(%dma_start3A_86 : memref<32x1024xf32, #tpu.memory_space<vmem>>) offsets(%dma_start3A_89 : memref<32xi32, #tpu.memory_space<vmem>>) semaphore(%dma_start3A_94 : memref<!tpu.dma_semaphore, #tpu.memory_space<semaphore_mem>>)
    %dma_wait3A_95 = arith.constant 0 : i32
    %dma_wait3A_96 = arith.constant 1 : i32
    %dma_wait3A_97 = arith.constant 1 : i32
    %dma_wait3A_98 = arith.constant 0 : i32
    %dma_wait3A_99 = arith.constant 0 : i32
    %dma_wait3A_100 = tpu.memref_slice %arg6[%dma_wait3A_96, %dma_wait3A_98, %dma_wait3A_99] : memref<2x32x1024xf32, #tpu.memory_space<vmem>> -> memref<1x32x1024xf32, #tpu.memory_space<vmem>>
    %dma_wait3A_101 = tpu.memref_squeeze %dma_wait3A_100 : memref<1x32x1024xf32, #tpu.memory_space<vmem>> -> memref<32x1024xf32, #tpu.memory_space<vmem>>
    %dma_wait3A_102 = arith.constant 0 : i32
    %dma_wait3A_103 = tpu.memref_slice %arg5[%dma_wait3A_95, %dma_wait3A_102] : memref<33x32xi32, #tpu.memory_space<vmem>> -> memref<1x32xi32, #tpu.memory_space<vmem>>
    %dma_wait3A_104 = tpu.memref_squeeze %dma_wait3A_103 : memref<1x32xi32, #tpu.memory_space<vmem>> -> memref<32xi32, #tpu.memory_space<vmem>>
    %dma_wait3A_105 = arith.constant 0 : i32
    %dma_wait3A_106 = arith.constant 0 : i32
    %dma_wait3A_107 = tpu.memref_slice %arg3[%dma_wait3A_105, %dma_wait3A_106] : memref<8192x1024xf32, #tpu.memory_space<hbm>> -> memref<8192x1024xf32, #tpu.memory_space<hbm>>
    %dma_wait3A_108 = tpu.memref_slice %arg7[%dma_wait3A_97] : memref<2x!tpu.dma_semaphore, #tpu.memory_space<semaphore_mem>> -> memref<1x!tpu.dma_semaphore, #tpu.memory_space<semaphore_mem>>
    %dma_wait3A_109 = tpu.memref_squeeze %dma_wait3A_108 : memref<1x!tpu.dma_semaphore, #tpu.memory_space<semaphore_mem>> -> memref<!tpu.dma_semaphore, #tpu.memory_space<semaphore_mem>>
    tpu.wait_indirect_dma semaphore(%dma_wait3A_109 : memref<!tpu.dma_semaphore, #tpu.memory_space<semaphore_mem>>) src(%dma_wait3A_107 : memref<8192x1024xf32, #tpu.memory_space<hbm>>) dst(%dma_wait3A_101 : memref<32x1024xf32, #tpu.memory_space<vmem>>)
    %add3A_110 = arith.constant 32 : i32
    %add3A_111 = arith.addi %mul3A_2, %add3A_110 : i32
    %dma_start3A_112 = arith.constant 1 : i32
    %dma_start3A_113 = arith.constant 1 : i32
    %dma_start3A_114 = arith.constant 0 : i32
    %dma_start3A_115 = arith.constant 0 : i32
    %dma_start3A_116 = tpu.memref_slice %arg6[%dma_start3A_112, %dma_start3A_114, %dma_start3A_115] : memref<2x32x1024xf32, #tpu.memory_space<vmem>> -> memref<1x32x1024xf32, #tpu.memory_space<vmem>>
    %dma_start3A_117 = tpu.memref_squeeze %dma_start3A_116 : memref<1x32x1024xf32, #tpu.memory_space<vmem>> -> memref<32x1024xf32, #tpu.memory_space<vmem>>
    %dma_start3A_118 = arith.constant 0 : i32
    %dma_start3A_119 = tpu.memref_slice %arg4[%add3A_111, %dma_start3A_118] : memref<32768x1024xf32, #tpu.memory_space<hbm>> -> memref<32x1024xf32, #tpu.memory_space<hbm>>
    %dma_start3A_120 = tpu.memref_slice %arg8[%dma_start3A_113] : memref<2x!tpu.dma_semaphore, #tpu.memory_space<semaphore_mem>> -> memref<1x!tpu.dma_semaphore, #tpu.memory_space<semaphore_mem>>
    %dma_start3A_121 = tpu.memref_squeeze %dma_start3A_120 : memref<1x!tpu.dma_semaphore, #tpu.memory_space<semaphore_mem>> -> memref<!tpu.dma_semaphore, #tpu.memory_space<semaphore_mem>>
    %dma_start3A_122 = arith.constant 0 : i32
    %dma_start3A_123 = tpu.memref_slice %arg4[%add3A_111, %dma_start3A_122] : memref<32768x1024xf32, #tpu.memory_space<hbm>> -> memref<32x1024xf32, #tpu.memory_space<hbm>>
    %dma_start3A_124 = arith.constant 0 : i32
    %dma_start3A_125 = arith.constant 0 : i32
    %dma_start3A_126 = tpu.memref_slice %arg6[%dma_start3A_112, %dma_start3A_124, %dma_start3A_125] : memref<2x32x1024xf32, #tpu.memory_space<vmem>> -> memref<1x32x1024xf32, #tpu.memory_space<vmem>>
    %dma_start3A_127 = tpu.memref_squeeze %dma_start3A_126 : memref<1x32x1024xf32, #tpu.memory_space<vmem>> -> memref<32x1024xf32, #tpu.memory_space<vmem>>
    tpu.enqueue_dma source(%dma_start3A_127 : memref<32x1024xf32, #tpu.memory_space<vmem>>) target(%dma_start3A_123 : memref<32x1024xf32, #tpu.memory_space<hbm>>) target_semaphore(%dma_start3A_121 : memref<!tpu.dma_semaphore, #tpu.memory_space<semaphore_mem>>)
    %scan3A = arith.constant 0 : i32
    %scan3A_128 = arith.constant 15 : i32
    %scan3A_129 = arith.addi %scan3A, %scan3A_128 : i32
    %scan3A_130 = arith.constant 1 : i32
    scf.for %scan3A_163 = %scan3A to %scan3A_129 step %scan3A_130  : i32 {
      %mul3A_164 = arith.constant 2 : i32
      %mul3A_165 = arith.muli %scan3A_163, %mul3A_164 : i32
      %add3A_166 = arith.constant 2 : i32
      %add3A_167 = arith.addi %add3A_166, %mul3A_165 : i32
      %add3A_168 = arith.constant 0 : i32
      %add3A_169 = arith.addi %add3A_167, %add3A_168 : i32
      %dma_wait3A_170 = arith.constant 1 : i32
      %dma_wait3A_171 = arith.constant 1 : i32
      %dma_wait3A_172 = arith.constant 0 : i32
      %dma_wait3A_173 = arith.constant 0 : i32
      %dma_wait3A_174 = tpu.memref_slice %arg6[%dma_wait3A_170, %dma_wait3A_172, %dma_wait3A_173] : memref<2x32x1024xf32, #tpu.memory_space<vmem>> -> memref<1x32x1024xf32, #tpu.memory_space<vmem>>
      %dma_wait3A_175 = tpu.memref_squeeze %dma_wait3A_174 : memref<1x32x1024xf32, #tpu.memory_space<vmem>> -> memref<32x1024xf32, #tpu.memory_space<vmem>>
      %dma_wait3A_176 = arith.constant 0 : i32
      %dma_wait3A_177 = tpu.memref_slice %arg4[%mul3A_2, %dma_wait3A_176] : memref<32768x1024xf32, #tpu.memory_space<hbm>> -> memref<32x1024xf32, #tpu.memory_space<hbm>>
      %dma_wait3A_178 = tpu.memref_slice %arg8[%dma_wait3A_171] : memref<2x!tpu.dma_semaphore, #tpu.memory_space<semaphore_mem>> -> memref<1x!tpu.dma_semaphore, #tpu.memory_space<semaphore_mem>>
      %dma_wait3A_179 = tpu.memref_squeeze %dma_wait3A_178 : memref<1x!tpu.dma_semaphore, #tpu.memory_space<semaphore_mem>> -> memref<!tpu.dma_semaphore, #tpu.memory_space<semaphore_mem>>
      %dma_wait3A_180 = arith.constant 0 : i32
      %dma_wait3A_181 = tpu.memref_slice %arg4[%mul3A_2, %dma_wait3A_180] : memref<32768x1024xf32, #tpu.memory_space<hbm>> -> memref<32x1024xf32, #tpu.memory_space<hbm>>
      %dma_wait3A_182 = arith.constant 0 : i32
      %dma_wait3A_183 = arith.constant 0 : i32
      %dma_wait3A_184 = tpu.memref_slice %arg6[%dma_wait3A_170, %dma_wait3A_182, %dma_wait3A_183] : memref<2x32x1024xf32, #tpu.memory_space<vmem>> -> memref<1x32x1024xf32, #tpu.memory_space<vmem>>
      %dma_wait3A_185 = tpu.memref_squeeze %dma_wait3A_184 : memref<1x32x1024xf32, #tpu.memory_space<vmem>> -> memref<32x1024xf32, #tpu.memory_space<vmem>>
      tpu.wait_dma2 semaphore(%dma_wait3A_179 : memref<!tpu.dma_semaphore, #tpu.memory_space<semaphore_mem>>) src(%dma_wait3A_185 : memref<32x1024xf32, #tpu.memory_space<vmem>>) dst(%dma_wait3A_181 : memref<32x1024xf32, #tpu.memory_space<hbm>>)
      %add3A_186 = arith.constant 1 : i32
      %add3A_187 = arith.addi %add3A_169, %add3A_186 : i32
      %dma_start3A_188 = arith.constant 1 : i32
      %dma_start3A_189 = arith.constant 1 : i32
      %dma_start3A_190 = arith.constant 0 : i32
      %dma_start3A_191 = arith.constant 0 : i32
      %dma_start3A_192 = tpu.memref_slice %arg6[%dma_start3A_188, %dma_start3A_190, %dma_start3A_191] : memref<2x32x1024xf32, #tpu.memory_space<vmem>> -> memref<1x32x1024xf32, #tpu.memory_space<vmem>>
      %dma_start3A_193 = tpu.memref_squeeze %dma_start3A_192 : memref<1x32x1024xf32, #tpu.memory_space<vmem>> -> memref<32x1024xf32, #tpu.memory_space<vmem>>
      %dma_start3A_194 = arith.constant 0 : i32
      %dma_start3A_195 = tpu.memref_slice %arg5[%add3A_187, %dma_start3A_194] : memref<33x32xi32, #tpu.memory_space<vmem>> -> memref<1x32xi32, #tpu.memory_space<vmem>>
      %dma_start3A_196 = tpu.memref_squeeze %dma_start3A_195 : memref<1x32xi32, #tpu.memory_space<vmem>> -> memref<32xi32, #tpu.memory_space<vmem>>
      %dma_start3A_197 = arith.constant 0 : i32
      %dma_start3A_198 = arith.constant 0 : i32
      %dma_start3A_199 = tpu.memref_slice %arg3[%dma_start3A_197, %dma_start3A_198] : memref<8192x1024xf32, #tpu.memory_space<hbm>> -> memref<8192x1024xf32, #tpu.memory_space<hbm>>
      %dma_start3A_200 = tpu.memref_slice %arg7[%dma_start3A_189] : memref<2x!tpu.dma_semaphore, #tpu.memory_space<semaphore_mem>> -> memref<1x!tpu.dma_semaphore, #tpu.memory_space<semaphore_mem>>
      %dma_start3A_201 = tpu.memref_squeeze %dma_start3A_200 : memref<1x!tpu.dma_semaphore, #tpu.memory_space<semaphore_mem>> -> memref<!tpu.dma_semaphore, #tpu.memory_space<semaphore_mem>>
      tpu.enqueue_indirect_dma source(%dma_start3A_199 : memref<8192x1024xf32, #tpu.memory_space<hbm>>) target(%dma_start3A_193 : memref<32x1024xf32, #tpu.memory_space<vmem>>) offsets(%dma_start3A_196 : memref<32xi32, #tpu.memory_space<vmem>>) semaphore(%dma_start3A_201 : memref<!tpu.dma_semaphore, #tpu.memory_space<semaphore_mem>>)
      %dma_wait3A_202 = arith.constant 0 : i32
      %dma_wait3A_203 = arith.constant 0 : i32
      %dma_wait3A_204 = arith.constant 0 : i32
      %dma_wait3A_205 = arith.constant 0 : i32
      %dma_wait3A_206 = arith.constant 0 : i32
      %dma_wait3A_207 = tpu.memref_slice %arg6[%dma_wait3A_203, %dma_wait3A_205, %dma_wait3A_206] : memref<2x32x1024xf32, #tpu.memory_space<vmem>> -> memref<1x32x1024xf32, #tpu.memory_space<vmem>>
      %dma_wait3A_208 = tpu.memref_squeeze %dma_wait3A_207 : memref<1x32x1024xf32, #tpu.memory_space<vmem>> -> memref<32x1024xf32, #tpu.memory_space<vmem>>
      %dma_wait3A_209 = arith.constant 0 : i32
      %dma_wait3A_210 = tpu.memref_slice %arg5[%dma_wait3A_202, %dma_wait3A_209] : memref<33x32xi32, #tpu.memory_space<vmem>> -> memref<1x32xi32, #tpu.memory_space<vmem>>
      %dma_wait3A_211 = tpu.memref_squeeze %dma_wait3A_210 : memref<1x32xi32, #tpu.memory_space<vmem>> -> memref<32xi32, #tpu.memory_space<vmem>>
      %dma_wait3A_212 = arith.constant 0 : i32
      %dma_wait3A_213 = arith.constant 0 : i32
      %dma_wait3A_214 = tpu.memref_slice %arg3[%dma_wait3A_212, %dma_wait3A_213] : memref<8192x1024xf32, #tpu.memory_space<hbm>> -> memref<8192x1024xf32, #tpu.memory_space<hbm>>
      %dma_wait3A_215 = tpu.memref_slice %arg7[%dma_wait3A_204] : memref<2x!tpu.dma_semaphore, #tpu.memory_space<semaphore_mem>> -> memref<1x!tpu.dma_semaphore, #tpu.memory_space<semaphore_mem>>
      %dma_wait3A_216 = tpu.memref_squeeze %dma_wait3A_215 : memref<1x!tpu.dma_semaphore, #tpu.memory_space<semaphore_mem>> -> memref<!tpu.dma_semaphore, #tpu.memory_space<semaphore_mem>>
      tpu.wait_indirect_dma semaphore(%dma_wait3A_216 : memref<!tpu.dma_semaphore, #tpu.memory_space<semaphore_mem>>) src(%dma_wait3A_214 : memref<8192x1024xf32, #tpu.memory_space<hbm>>) dst(%dma_wait3A_208 : memref<32x1024xf32, #tpu.memory_space<vmem>>)
      %mul3A_217 = arith.constant 32 : i32
      %mul3A_218 = arith.muli %add3A_169, %mul3A_217 : i32
      %add3A_219 = arith.addi %mul3A_2, %mul3A_218 : i32
      %dma_start3A_220 = arith.constant 0 : i32
      %dma_start3A_221 = arith.constant 0 : i32
      %dma_start3A_222 = arith.constant 0 : i32
      %dma_start3A_223 = arith.constant 0 : i32
      %dma_start3A_224 = tpu.memref_slice %arg6[%dma_start3A_220, %dma_start3A_222, %dma_start3A_223] : memref<2x32x1024xf32, #tpu.memory_space<vmem>> -> memref<1x32x1024xf32, #tpu.memory_space<vmem>>
      %dma_start3A_225 = tpu.memref_squeeze %dma_start3A_224 : memref<1x32x1024xf32, #tpu.memory_space<vmem>> -> memref<32x1024xf32, #tpu.memory_space<vmem>>
      %dma_start3A_226 = arith.constant 0 : i32
      %dma_start3A_227 = tpu.memref_slice %arg4[%add3A_219, %dma_start3A_226] : memref<32768x1024xf32, #tpu.memory_space<hbm>> -> memref<32x1024xf32, #tpu.memory_space<hbm>>
      %dma_start3A_228 = tpu.memref_slice %arg8[%dma_start3A_221] : memref<2x!tpu.dma_semaphore, #tpu.memory_space<semaphore_mem>> -> memref<1x!tpu.dma_semaphore, #tpu.memory_space<semaphore_mem>>
      %dma_start3A_229 = tpu.memref_squeeze %dma_start3A_228 : memref<1x!tpu.dma_semaphore, #tpu.memory_space<semaphore_mem>> -> memref<!tpu.dma_semaphore, #tpu.memory_space<semaphore_mem>>
      %dma_start3A_230 = arith.constant 0 : i32
      %dma_start3A_231 = tpu.memref_slice %arg4[%add3A_219, %dma_start3A_230] : memref<32768x1024xf32, #tpu.memory_space<hbm>> -> memref<32x1024xf32, #tpu.memory_space<hbm>>
      %dma_start3A_232 = arith.constant 0 : i32
      %dma_start3A_233 = arith.constant 0 : i32
      %dma_start3A_234 = tpu.memref_slice %arg6[%dma_start3A_220, %dma_start3A_232, %dma_start3A_233] : memref<2x32x1024xf32, #tpu.memory_space<vmem>> -> memref<1x32x1024xf32, #tpu.memory_space<vmem>>
      %dma_start3A_235 = tpu.memref_squeeze %dma_start3A_234 : memref<1x32x1024xf32, #tpu.memory_space<vmem>> -> memref<32x1024xf32, #tpu.memory_space<vmem>>
      tpu.enqueue_dma source(%dma_start3A_235 : memref<32x1024xf32, #tpu.memory_space<vmem>>) target(%dma_start3A_231 : memref<32x1024xf32, #tpu.memory_space<hbm>>) target_semaphore(%dma_start3A_229 : memref<!tpu.dma_semaphore, #tpu.memory_space<semaphore_mem>>)
      %add3A_236 = arith.constant 1 : i32
      %add3A_237 = arith.addi %add3A_167, %add3A_236 : i32
      %dma_wait3A_238 = arith.constant 0 : i32
      %dma_wait3A_239 = arith.constant 0 : i32
      %dma_wait3A_240 = arith.constant 0 : i32
      %dma_wait3A_241 = arith.constant 0 : i32
      %dma_wait3A_242 = tpu.memref_slice %arg6[%dma_wait3A_238, %dma_wait3A_240, %dma_wait3A_241] : memref<2x32x1024xf32, #tpu.memory_space<vmem>> -> memref<1x32x1024xf32, #tpu.memory_space<vmem>>
      %dma_wait3A_243 = tpu.memref_squeeze %dma_wait3A_242 : memref<1x32x1024xf32, #tpu.memory_space<vmem>> -> memref<32x1024xf32, #tpu.memory_space<vmem>>
      %dma_wait3A_244 = arith.constant 0 : i32
      %dma_wait3A_245 = tpu.memref_slice %arg4[%mul3A_2, %dma_wait3A_244] : memref<32768x1024xf32, #tpu.memory_space<hbm>> -> memref<32x1024xf32, #tpu.memory_space<hbm>>
      %dma_wait3A_246 = tpu.memref_slice %arg8[%dma_wait3A_239] : memref<2x!tpu.dma_semaphore, #tpu.memory_space<semaphore_mem>> -> memref<1x!tpu.dma_semaphore, #tpu.memory_space<semaphore_mem>>
      %dma_wait3A_247 = tpu.memref_squeeze %dma_wait3A_246 : memref<1x!tpu.dma_semaphore, #tpu.memory_space<semaphore_mem>> -> memref<!tpu.dma_semaphore, #tpu.memory_space<semaphore_mem>>
      %dma_wait3A_248 = arith.constant 0 : i32
      %dma_wait3A_249 = tpu.memref_slice %arg4[%mul3A_2, %dma_wait3A_248] : memref<32768x1024xf32, #tpu.memory_space<hbm>> -> memref<32x1024xf32, #tpu.memory_space<hbm>>
      %dma_wait3A_250 = arith.constant 0 : i32
      %dma_wait3A_251 = arith.constant 0 : i32
      %dma_wait3A_252 = tpu.memref_slice %arg6[%dma_wait3A_238, %dma_wait3A_250, %dma_wait3A_251] : memref<2x32x1024xf32, #tpu.memory_space<vmem>> -> memref<1x32x1024xf32, #tpu.memory_space<vmem>>
      %dma_wait3A_253 = tpu.memref_squeeze %dma_wait3A_252 : memref<1x32x1024xf32, #tpu.memory_space<vmem>> -> memref<32x1024xf32, #tpu.memory_space<vmem>>
      tpu.wait_dma2 semaphore(%dma_wait3A_247 : memref<!tpu.dma_semaphore, #tpu.memory_space<semaphore_mem>>) src(%dma_wait3A_253 : memref<32x1024xf32, #tpu.memory_space<vmem>>) dst(%dma_wait3A_249 : memref<32x1024xf32, #tpu.memory_space<hbm>>)
      %add3A_254 = arith.constant 1 : i32
      %add3A_255 = arith.addi %add3A_237, %add3A_254 : i32
      %dma_start3A_256 = arith.constant 0 : i32
      %dma_start3A_257 = arith.constant 0 : i32
      %dma_start3A_258 = arith.constant 0 : i32
      %dma_start3A_259 = arith.constant 0 : i32
      %dma_start3A_260 = tpu.memref_slice %arg6[%dma_start3A_256, %dma_start3A_258, %dma_start3A_259] : memref<2x32x1024xf32, #tpu.memory_space<vmem>> -> memref<1x32x1024xf32, #tpu.memory_space<vmem>>
      %dma_start3A_261 = tpu.memref_squeeze %dma_start3A_260 : memref<1x32x1024xf32, #tpu.memory_space<vmem>> -> memref<32x1024xf32, #tpu.memory_space<vmem>>
      %dma_start3A_262 = arith.constant 0 : i32
      %dma_start3A_263 = tpu.memref_slice %arg5[%add3A_255, %dma_start3A_262] : memref<33x32xi32, #tpu.memory_space<vmem>> -> memref<1x32xi32, #tpu.memory_space<vmem>>
      %dma_start3A_264 = tpu.memref_squeeze %dma_start3A_263 : memref<1x32xi32, #tpu.memory_space<vmem>> -> memref<32xi32, #tpu.memory_space<vmem>>
      %dma_start3A_265 = arith.constant 0 : i32
      %dma_start3A_266 = arith.constant 0 : i32
      %dma_start3A_267 = tpu.memref_slice %arg3[%dma_start3A_265, %dma_start3A_266] : memref<8192x1024xf32, #tpu.memory_space<hbm>> -> memref<8192x1024xf32, #tpu.memory_space<hbm>>
      %dma_start3A_268 = tpu.memref_slice %arg7[%dma_start3A_257] : memref<2x!tpu.dma_semaphore, #tpu.memory_space<semaphore_mem>> -> memref<1x!tpu.dma_semaphore, #tpu.memory_space<semaphore_mem>>
      %dma_start3A_269 = tpu.memref_squeeze %dma_start3A_268 : memref<1x!tpu.dma_semaphore, #tpu.memory_space<semaphore_mem>> -> memref<!tpu.dma_semaphore, #tpu.memory_space<semaphore_mem>>
      tpu.enqueue_indirect_dma source(%dma_start3A_267 : memref<8192x1024xf32, #tpu.memory_space<hbm>>) target(%dma_start3A_261 : memref<32x1024xf32, #tpu.memory_space<vmem>>) offsets(%dma_start3A_264 : memref<32xi32, #tpu.memory_space<vmem>>) semaphore(%dma_start3A_269 : memref<!tpu.dma_semaphore, #tpu.memory_space<semaphore_mem>>)
      %dma_wait3A_270 = arith.constant 0 : i32
      %dma_wait3A_271 = arith.constant 1 : i32
      %dma_wait3A_272 = arith.constant 1 : i32
      %dma_wait3A_273 = arith.constant 0 : i32
      %dma_wait3A_274 = arith.constant 0 : i32
      %dma_wait3A_275 = tpu.memref_slice %arg6[%dma_wait3A_271, %dma_wait3A_273, %dma_wait3A_274] : memref<2x32x1024xf32, #tpu.memory_space<vmem>> -> memref<1x32x1024xf32, #tpu.memory_space<vmem>>
      %dma_wait3A_276 = tpu.memref_squeeze %dma_wait3A_275 : memref<1x32x1024xf32, #tpu.memory_space<vmem>> -> memref<32x1024xf32, #tpu.memory_space<vmem>>
      %dma_wait3A_277 = arith.constant 0 : i32
      %dma_wait3A_278 = tpu.memref_slice %arg5[%dma_wait3A_270, %dma_wait3A_277] : memref<33x32xi32, #tpu.memory_space<vmem>> -> memref<1x32xi32, #tpu.memory_space<vmem>>
      %dma_wait3A_279 = tpu.memref_squeeze %dma_wait3A_278 : memref<1x32xi32, #tpu.memory_space<vmem>> -> memref<32xi32, #tpu.memory_space<vmem>>
      %dma_wait3A_280 = arith.constant 0 : i32
      %dma_wait3A_281 = arith.constant 0 : i32
      %dma_wait3A_282 = tpu.memref_slice %arg3[%dma_wait3A_280, %dma_wait3A_281] : memref<8192x1024xf32, #tpu.memory_space<hbm>> -> memref<8192x1024xf32, #tpu.memory_space<hbm>>
      %dma_wait3A_283 = tpu.memref_slice %arg7[%dma_wait3A_272] : memref<2x!tpu.dma_semaphore, #tpu.memory_space<semaphore_mem>> -> memref<1x!tpu.dma_semaphore, #tpu.memory_space<semaphore_mem>>
      %dma_wait3A_284 = tpu.memref_squeeze %dma_wait3A_283 : memref<1x!tpu.dma_semaphore, #tpu.memory_space<semaphore_mem>> -> memref<!tpu.dma_semaphore, #tpu.memory_space<semaphore_mem>>
      tpu.wait_indirect_dma semaphore(%dma_wait3A_284 : memref<!tpu.dma_semaphore, #tpu.memory_space<semaphore_mem>>) src(%dma_wait3A_282 : memref<8192x1024xf32, #tpu.memory_space<hbm>>) dst(%dma_wait3A_276 : memref<32x1024xf32, #tpu.memory_space<vmem>>)
      %mul3A_285 = arith.constant 32 : i32
      %mul3A_286 = arith.muli %add3A_237, %mul3A_285 : i32
      %add3A_287 = arith.addi %mul3A_2, %mul3A_286 : i32
      %dma_start3A_288 = arith.constant 1 : i32
      %dma_start3A_289 = arith.constant 1 : i32
      %dma_start3A_290 = arith.constant 0 : i32
      %dma_start3A_291 = arith.constant 0 : i32
      %dma_start3A_292 = tpu.memref_slice %arg6[%dma_start3A_288, %dma_start3A_290, %dma_start3A_291] : memref<2x32x1024xf32, #tpu.memory_space<vmem>> -> memref<1x32x1024xf32, #tpu.memory_space<vmem>>
      %dma_start3A_293 = tpu.memref_squeeze %dma_start3A_292 : memref<1x32x1024xf32, #tpu.memory_space<vmem>> -> memref<32x1024xf32, #tpu.memory_space<vmem>>
      %dma_start3A_294 = arith.constant 0 : i32
      %dma_start3A_295 = tpu.memref_slice %arg4[%add3A_287, %dma_start3A_294] : memref<32768x1024xf32, #tpu.memory_space<hbm>> -> memref<32x1024xf32, #tpu.memory_space<hbm>>
      %dma_start3A_296 = tpu.memref_slice %arg8[%dma_start3A_289] : memref<2x!tpu.dma_semaphore, #tpu.memory_space<semaphore_mem>> -> memref<1x!tpu.dma_semaphore, #tpu.memory_space<semaphore_mem>>
      %dma_start3A_297 = tpu.memref_squeeze %dma_start3A_296 : memref<1x!tpu.dma_semaphore, #tpu.memory_space<semaphore_mem>> -> memref<!tpu.dma_semaphore, #tpu.memory_space<semaphore_mem>>
      %dma_start3A_298 = arith.constant 0 : i32
      %dma_start3A_299 = tpu.memref_slice %arg4[%add3A_287, %dma_start3A_298] : memref<32768x1024xf32, #tpu.memory_space<hbm>> -> memref<32x1024xf32, #tpu.memory_space<hbm>>
      %dma_start3A_300 = arith.constant 0 : i32
      %dma_start3A_301 = arith.constant 0 : i32
      %dma_start3A_302 = tpu.memref_slice %arg6[%dma_start3A_288, %dma_start3A_300, %dma_start3A_301] : memref<2x32x1024xf32, #tpu.memory_space<vmem>> -> memref<1x32x1024xf32, #tpu.memory_space<vmem>>
      %dma_start3A_303 = tpu.memref_squeeze %dma_start3A_302 : memref<1x32x1024xf32, #tpu.memory_space<vmem>> -> memref<32x1024xf32, #tpu.memory_space<vmem>>
      tpu.enqueue_dma source(%dma_start3A_303 : memref<32x1024xf32, #tpu.memory_space<vmem>>) target(%dma_start3A_299 : memref<32x1024xf32, #tpu.memory_space<hbm>>) target_semaphore(%dma_start3A_297 : memref<!tpu.dma_semaphore, #tpu.memory_space<semaphore_mem>>)
    }
    %scan3A_131 = arith.constant 15 : i32
    %dma_wait3A_132 = arith.constant 1 : i32
    %dma_wait3A_133 = arith.constant 1 : i32
    %dma_wait3A_134 = arith.constant 0 : i32
    %dma_wait3A_135 = arith.constant 0 : i32
    %dma_wait3A_136 = tpu.memref_slice %arg6[%dma_wait3A_132, %dma_wait3A_134, %dma_wait3A_135] : memref<2x32x1024xf32, #tpu.memory_space<vmem>> -> memref<1x32x1024xf32, #tpu.memory_space<vmem>>
    %dma_wait3A_137 = tpu.memref_squeeze %dma_wait3A_136 : memref<1x32x1024xf32, #tpu.memory_space<vmem>> -> memref<32x1024xf32, #tpu.memory_space<vmem>>
    %dma_wait3A_138 = arith.constant 0 : i32
    %dma_wait3A_139 = tpu.memref_slice %arg4[%mul3A_2, %dma_wait3A_138] : memref<32768x1024xf32, #tpu.memory_space<hbm>> -> memref<32x1024xf32, #tpu.memory_space<hbm>>
    %dma_wait3A_140 = tpu.memref_slice %arg8[%dma_wait3A_133] : memref<2x!tpu.dma_semaphore, #tpu.memory_space<semaphore_mem>> -> memref<1x!tpu.dma_semaphore, #tpu.memory_space<semaphore_mem>>
    %dma_wait3A_141 = tpu.memref_squeeze %dma_wait3A_140 : memref<1x!tpu.dma_semaphore, #tpu.memory_space<semaphore_mem>> -> memref<!tpu.dma_semaphore, #tpu.memory_space<semaphore_mem>>
    %dma_wait3A_142 = arith.constant 0 : i32
    %dma_wait3A_143 = tpu.memref_slice %arg4[%mul3A_2, %dma_wait3A_142] : memref<32768x1024xf32, #tpu.memory_space<hbm>> -> memref<32x1024xf32, #tpu.memory_space<hbm>>
    %dma_wait3A_144 = arith.constant 0 : i32
    %dma_wait3A_145 = arith.constant 0 : i32
    %dma_wait3A_146 = tpu.memref_slice %arg6[%dma_wait3A_132, %dma_wait3A_144, %dma_wait3A_145] : memref<2x32x1024xf32, #tpu.memory_space<vmem>> -> memref<1x32x1024xf32, #tpu.memory_space<vmem>>
    %dma_wait3A_147 = tpu.memref_squeeze %dma_wait3A_146 : memref<1x32x1024xf32, #tpu.memory_space<vmem>> -> memref<32x1024xf32, #tpu.memory_space<vmem>>
    tpu.wait_dma2 semaphore(%dma_wait3A_141 : memref<!tpu.dma_semaphore, #tpu.memory_space<semaphore_mem>>) src(%dma_wait3A_147 : memref<32x1024xf32, #tpu.memory_space<vmem>>) dst(%dma_wait3A_143 : memref<32x1024xf32, #tpu.memory_space<hbm>>)
    %dma_wait3A_148 = arith.constant 0 : i32
    %dma_wait3A_149 = arith.constant 0 : i32
    %dma_wait3A_150 = arith.constant 0 : i32
    %dma_wait3A_151 = arith.constant 0 : i32
    %dma_wait3A_152 = arith.constant 0 : i32
    %dma_wait3A_153 = tpu.memref_slice %arg6[%dma_wait3A_149, %dma_wait3A_151, %dma_wait3A_152] : memref<2x32x1024xf32, #tpu.memory_space<vmem>> -> memref<1x32x1024xf32, #tpu.memory_space<vmem>>
    %dma_wait3A_154 = tpu.memref_squeeze %dma_wait3A_153 : memref<1x32x1024xf32, #tpu.memory_space<vmem>> -> memref<32x1024xf32, #tpu.memory_space<vmem>>
    %dma_wait3A_155 = arith.constant 0 : i32
    %dma_wait3A_156 = tpu.memref_slice %arg5[%dma_wait3A_148, %dma_wait3A_155] : memref<33x32xi32, #tpu.memory_space<vmem>> -> memref<1x32xi32, #tpu.memory_space<vmem>>
    %dma_wait3A_157 = tpu.memref_squeeze %dma_wait3A_156 : memref<1x32xi32, #tpu.memory_space<vmem>> -> memref<32xi32, #tpu.memory_space<vmem>>
    %dma_wait3A_158 = arith.constant 0 : i32
    %dma_wait3A_159 = arith.constant 0 : i32
    %dma_wait3A_160 = tpu.memref_slice %arg3[%dma_wait3A_158, %dma_wait3A_159] : memref<8192x1024xf32, #tpu.memory_space<hbm>> -> memref<8192x1024xf32, #tpu.memory_space<hbm>>
    %dma_wait3A_161 = tpu.memref_slice %arg7[%dma_wait3A_150] : memref<2x!tpu.dma_semaphore, #tpu.memory_space<semaphore_mem>> -> memref<1x!tpu.dma_semaphore, #tpu.memory_space<semaphore_mem>>
    %dma_wait3A_162 = tpu.memref_squeeze %dma_wait3A_161 : memref<1x!tpu.dma_semaphore, #tpu.memory_space<semaphore_mem>> -> memref<!tpu.dma_semaphore, #tpu.memory_space<semaphore_mem>>
    tpu.wait_indirect_dma semaphore(%dma_wait3A_162 : memref<!tpu.dma_semaphore, #tpu.memory_space<semaphore_mem>>) src(%dma_wait3A_160 : memref<8192x1024xf32, #tpu.memory_space<hbm>>) dst(%dma_wait3A_154 : memref<32x1024xf32, #tpu.memory_space<vmem>>)
    return
  }
}

</mosaic_0001>

<sc_bundles>
// kernel: kernel.3.cloned.1.call-start
scs
__scs_entry_jumppad:
0x0: {  	(pc) =	sbr.rel $0x88, $3  }
0x1: {  	(tag) =	ssettag $0x0;
	lr =	simm.s32 $0x1  }
0x2: {  	[smem:$0x3F9F] =	sst lr;
	_ =	strace $0xD0000000  }
0x3: {  	_ = 	snop  }
0x4: {  	_ = 	snop  }
0x5: {  	_ = 	snop  }
0x6: {  	_ = 	snop  }
0x7: {  	_ = 	snop  }
__scs_overlays_trampoline_lowered:
0x8: {  	[smem:$0x3FAE] =	sst s0  }
0x9: {  	[smem:$0x3FAF] =	sst s1  }
0xa: {  	[smem:$0x3FB0] =	sst s2  }
0xb: {  	[smem:$0x3FB1] =	sst s3  }
0xc: {  	[smem:$0x3FB2] =	sst s4  }
0xd: {  	[smem:$0x3FB3] =	sst s5  }
0xe: {  	[smem:$0x3FB4] =	sst s6  }
0xf: {  	[smem:$0x3FB5] =	sst s7  }
0x10: {  	[smem:$0x3FB6] =	sst s8  }
0x11: {  	[smem:$0x3FB7] =	sst s9;
	s0 =	simm.s32 @!p0 $0x0  }
0x12: {  	s1 =	sld [smem:$0x3F9D];
	s0 =	simm.s32 @p0 $0x1  }
0x13: {  	[smem:$0x3FB8] =	sst s0;
	s0 =	simm.s32 @!p1 $0x0  }
0x14: {  	s2 =	sld [smem:$0x3F9C];
	s0 =	simm.s32 @p1 $0x1  }
0x15: {  	[smem:$0x3FB9] =	sst s0;
	s0 =	simm.s32 @!p2 $0x0  }
0x16: {  	s3 =	sld [smem:$0x3FDB];
	s0 =	simm.s32 @p2 $0x1  }
0x17: {  	s4 =	simm.s32 $0x1BF5;
	[smem:$0x3FBB] =	sst s0  }
0x18: {  	s0 =	sld [smem:$0x3F9E];
	_ =	swait.ge [sflag:s4], $0x0  }
0x19: {  	s7 =	sld [smem:$0x3F9F]  }
0x1a: {  	s8 =	sadd.s32 $0xFFFFE003, lr  }
0x1b: {  	s9 =	sadd.s32 $0xFFFFFEF7, lr;
	s5 =	simm.s32 $0xFFFFFFFF;
	p2 =	slt.u32 s8, $0xFFFFF086  }
0x1c: {  	p1 =	slt.u32 s9, $0xF7A;
	s5 =	simm.s32 @!p2 $0x0  }
0x1d: {  	s5 =	simm.s32 @p1 $0x1;
	p0 =	seq.s32 s7, s2  }
0x1e: {  	s7 =	smul.u32 @!p0 $0xF7A, s2;
	p2 =	seq.s32 @!p0 s5, $0x0  }
0x1f: {  	s9 =	smul.u32 $0xF7A, s1;
	s8 =	simm.s32 @!p0 $0x1BF5;
	p2 =	por !p2, p0  }
0x20: {  	[sflag:s8] =	ssyncset.s32 @!p0 $0xFFFFF086;
	s6 =	sadd.s32 @!p0 s3, s7;
	s7 =	simm.s32 @!p0 $0x108  }
0x21: {  	s3 =	sadd.s32 s3, s9;
	s6 =	sadd.s32 @!p0 $0x88, s6;
	s7 =	simm.s32 @p2 $0x1082  }
0x22: {  	[simem:s7], [sflag:s8] =	dma.local @!p0 [hbm:s6], $0xF7A  }
0x23: {  	s9 =	sor.u32 $0xD0000000, s2;
	s6 =	simm.s32 $0x108;
	_ =	swait.ge @!p0 [sflag:s8], $0x0  }
0x24: {  	s3 =	sadd.s32 $0x88, s3;
	s6 =	simm.s32 @!p1 $0x1082;
	[sflag:s4] =	ssyncset.s32 $0xFFFFF086  }
0x25: {  	[simem:s6], [sflag:s4] =	dma.local [hbm:s3], $0xF7A  }
0x26: {  	[smem:$0x3F9F] =	sst s1;
	(tag) =	ssettag s2;
	_ =	strace s9  }
0x27: {  	s1 =	sld [smem:$0x3FAF]  }
0x28: {  	s2 =	sld [smem:$0x3FB0]  }
0x29: {  	s4 =	sld [smem:$0x3FB2]  }
0x2a: {  	p0 =	seq.s32 s5, $0x0;
	s5 =	sld [smem:$0x3FB3]  }
0x2b: {  	s6 =	sld [smem:$0x3FB4]  }
0x2c: {  	s7 =	sld [smem:$0x3FB5]  }
0x2d: {  	s3 =	simm.s32 $0x108;
	s8 =	sld [smem:$0x3FB6]  }
0x2e: {  	s3 =	simm.s32 @!p0 $0x1082;
	s9 =	sld [smem:$0x3FB7]  }
0x2f: {  	lr =	sadd.s32 s0, s3;
	s0 =	sld [smem:$0x3FAE]  }
0x30: {  	s3 =	sld [smem:$0x3FB1]  }
0x31: {  	[smem:$0x3FBA] =	sst s10  }
0x32: {  	s10 =	sld [smem:$0x3FB8];
	_ =	sdelay $0x3  }
0x33: {  	p0 =	seq.s32 s10, $0x1;
	s10 =	sld [smem:$0x3FBA];
	_ =	sdelay $0x3  }
0x34: {  	[smem:$0x3FBA] =	sst s10  }
0x35: {  	s10 =	sld [smem:$0x3FB9];
	_ =	sdelay $0x3  }
0x36: {  	p1 =	seq.s32 s10, $0x1;
	s10 =	sld [smem:$0x3FBA];
	_ =	sdelay $0x3  }
0x37: {  	[smem:$0x3FBA] =	sst s10  }
0x38: {  	s10 =	sld [smem:$0x3FBB]  }
0x39: {  	_ = 	snop;
	(pc) =	sbr.ind lr, $3  }
0x3a: {  	_ = 	snop  }
0x3b: {  	_ = 	snop  }
0x3c: {  	p2 =	seq.s32 s10, $0x1;
	s10 =	sld [smem:$0x3FBA]  }
0x3d: {  	_ =	shalt  }
0x3e: {  	_ =	shalt  }
0x3f: {  	_ =	shalt  }
0x40: {  	_ =	shalt  }
0x41: {  	_ =	shalt  }
0x42: {  	_ =	shalt  }
0x43: {  	_ =	shalt  }
0x44: {  	_ =	shalt  }
0x45: {  	_ =	shalt  }
0x46: {  	_ =	shalt  }
0x47: {  	_ =	shalt  }
0x48: {  	_ =	shalt  }
0x49: {  	_ =	shalt  }
0x4a: {  	_ =	shalt  }
0x4b: {  	_ =	shalt  }
0x4c: {  	_ =	shalt  }
0x4d: {  	_ =	shalt  }
0x4e: {  	_ =	shalt  }
0x4f: {  	_ =	shalt  }
0x50: {  	_ =	shalt  }
0x51: {  	_ =	shalt  }
0x52: {  	_ =	shalt  }
0x53: {  	_ =	shalt  }
0x54: {  	_ =	shalt  }
0x55: {  	_ =	shalt  }
0x56: {  	_ =	shalt  }
0x57: {  	_ =	shalt  }
0x58: {  	_ =	shalt  }
0x59: {  	_ =	shalt  }
0x5a: {  	_ =	shalt  }
0x5b: {  	_ =	shalt  }
0x5c: {  	_ =	shalt  }
0x5d: {  	_ =	shalt  }
0x5e: {  	_ =	shalt  }
0x5f: {  	_ =	shalt  }
0x60: {  	_ =	shalt  }
0x61: {  	_ =	shalt  }
0x62: {  	_ =	shalt  }
0x63: {  	_ =	shalt  }
0x64: {  	_ =	shalt  }
0x65: {  	_ =	shalt  }
0x66: {  	_ =	shalt  }
0x67: {  	_ =	shalt  }
0x68: {  	_ =	shalt  }
0x69: {  	_ =	shalt  }
0x6a: {  	_ =	shalt  }
0x6b: {  	_ =	shalt  }
0x6c: {  	_ =	shalt  }
0x6d: {  	_ =	shalt  }
0x6e: {  	_ =	shalt  }
0x6f: {  	_ =	shalt  }
0x70: {  	_ =	shalt  }
0x71: {  	_ =	shalt  }
0x72: {  	_ =	shalt  }
0x73: {  	_ =	shalt  }
0x74: {  	_ =	shalt  }
0x75: {  	_ =	shalt  }
0x76: {  	_ =	shalt  }
0x77: {  	_ =	shalt  }
0x78: {  	_ =	shalt  }
0x79: {  	_ =	shalt  }
0x7a: {  	_ =	shalt  }
0x7b: {  	_ =	shalt  }
0x7c: {  	_ =	shalt  }
0x7d: {  	_ =	shalt  }
0x7e: {  	_ =	shalt  }
0x7f: {  	_ =	shalt  }
0x80: {  	_ =	shalt  }
0x81: {  	_ =	shalt  }
0x82: {  	_ =	shalt  }
0x83: {  	_ =	shalt  }
0x84: {  	_ =	shalt  }
0x85: {  	_ =	shalt  }
0x86: {  	_ =	shalt  }
0x87: {  	_ =	shalt  }
.Lfunc_end0:
.L_simem_size_0:
called_computation_lowered:
.L_overlay_start_0:
0x88: {  	s2 =	sld [smem:$0x3FD9]  }
0x89: {  	s3 =	sld [smem:$0x3FFE];
	_ =	sdelay $0x1  }
0x8a: {  	s1 =	srdreg.scid  }
0x8b: {  	s0 =	sand.u32 $0x1, s1  }
0x8c: {  	s17 =	sshll.u32 s0, $0xA;
	s2 =	sadd.s32 s3, s2  }
0x8d: {  	s2 =	sadd.s32 s2, s17  }
0x8e: {  	[smem:$0x3FC6] =	sst s2  }
0x8f: {  	_ = 	snop  }
0x90: {  	s2 =	sld [smem:$0x3FC8]  }
0x91: {  	s18 =	sld [smem:$0x3FD0];
	(tm) =	ssettm $0x1  }
0x92: {  	s4 =	sld [smem:$0x3FFB];
	_ =	sdelay $0x3  }
0x93: {  	_ =	strace s4  }
0x94: {  	s4 =	sld [smem:$0x3FFC];
	_ =	sdelay $0x3  }
0x95: {  	_ =	strace s4  }
0x96: {  	s4 =	sld [smem:$0x3FFD];
	_ =	sdelay $0x3  }
0x97: {  	_ =	strace s4  }
0x98: {  	_ =	strace $0x8FFFFFFF  }
0x99: {  	s19 =	sld [smem:$0x3FDB];
	_ =	sdelay $0x1  }
0x9a: {  	s5 =	simm.s32 $_scs_section_size  }
0x9b: {  	s6 =	simm.s32 $_size__tile_overlayer_lowered;
	s7 =	simm.s32 $_tile_overlayer_lowered  }
0x9c: {  	s22 =	simm.s32 $0x1BFF;
	s21 =	sshll.u32 s7, $0x1;
	s4 =	sadd.s32 s5, s19  }
0x9d: {  	s8 =	simm.s32 $0x0;
	s20 =	sshll.u32 s6, $0x1;
	s6 =	sadd.s32 s21, s4  }
0x9e: {  	[timem:s8], [sflag:s22] =	dma.local [hbm:s6], s20  }
0x9f: {  	_ =	swait.ge [sflag:s22], s20  }
0xa0: {  	s5 =	ssub.s32 $0x0, s20;
	[sflag:s22] =	ssyncset.done $0x0  }
0xa1: {  	[sflag:s22] =	ssyncadd.s32 s5;
	_ =	sdelay $0x1  }
0xa2: {  	s23 =	simm.s32 $0x1B8B  }
0xa3: {  	_ =	swait.ge [sflag:s23], $0x1  }
0xa4: {  	[sflag:s23] =	ssyncset.done $0x0  }
0xa5: {  	s25 =	simm.s32 $0x1B8E;
	s24 =	sld [smem:$0x3FFE];
	[sflag:s23] =	ssyncadd.s32 $0xFFFFFFFF  }
0xa6: {  	s26 =	simm.s32 $execute0_lowered;
	[smem:$0x3FD2] =	sst s25  }
0xa7: {  	s6 =	sshll.u32 s26, $0x1;
	_ =	strace $0x80000046;
	[dreg:$0x1] =	wrdreg $0xFFFFFFFF  }
0xa8: {  	s28 =	simm.s32 $_size_execute0_lowered;
	s4 =	sadd.s32 s4, s6;
	[dreg:$0x0] =	wrdreg $0x0  }
0xa9: {  	s6 =	sshll.u32 s28, $0x1;
	[dreg:$0x2] =	wrdreg s4  }
0xaa: {  	[dreg:$0x3] =	wrdreg s6  }
0xab: {  	[dreg:$0x4] =	wrdreg $0xC0  }
0xac: {  	_ =	task [dreg:s8], $0x5FFFF  }
0xad: {  	[dreg:$0x1] =	wrdreg $0xFFFFFFFF  }
0xae: {  	[dreg:$0x0] =	wrdreg $0x60  }
0xaf: {  	[dreg:$0x2] =	wrdreg s24  }
0xb0: {  	[dreg:$0x3] =	wrdreg s2  }
0xb1: {  	[dreg:$0x4] =	wrdreg s18  }
0xb2: {  	[dreg:$0x5] =	wrdreg $0x9  }
0xb3: {  	_ =	task.clear_ibuf [dreg:s8], $0x6FFFF;
	_ =	strace $0x90000046  }
0xb4: {  	s29 =	simm.s32 $0x9;
	_ =	strace $0x80000048  }
0xb5: {  	_ =	swait.ge [sflag:s29], $0x1  }
0xb6: {  	[sflag:s29] =	ssyncadd.s32 $0xFFFFFFFF  }
0xb7: {  	_ =	strace $0x90000048  }
0xb8: {  	_ =	sfence  }
0xb9: {  	s30 =	sld [smem:$0x0];
	_ =	sdelay $0x2  }
0xba: {  	s31 =	sshll.u32 s1, $0xD;
	s1 =	sshrl.u32 s1, $0x2  }
0xbb: {  	s3 =	sand.u32 $0x4000, s31;
	s1 =	sadd.s32 s1, s30  }
0xbc: {  	s0 =	sor.u32 s3, s0;
	s1 =	sshll.u32 s1, $0x11  }
0xbd: {  	s0 =	sor.u32 s1, s0  }
0xbe: {  	s0 =	sadd.s32 $0x8F2B, s0  }
0xbf: {  	[sflag:s0] =	ssyncadd.remote.s32 $0x1  }
0xc0: {  	_ =	sfence.sel $0xFFFF  }
0xc1: {  	[dreg:$0x0] =	wrdreg $0xFFFFFFFF;
	(pc) =	sbr.abs _section_cstart, $3  }
0xc2: {  	[dreg:$0x1] =	wrdreg $0xFFFFFFFF  }
0xc3: {  	_ =	task.clear_ibuf [dreg:s8], $0x2FFFF;
	_ =	strace $0x9FFFFFFF  }
0xc4: {  	(tm) =	ssettm $0x7FFFFFFF  }
0xc5: {  	_ =	shalt  }
tec
execute0_lowered:
.L_overlay_start_1:
0x0: {  	(tag) =	ssettag $0x1  }
0x1: {  	s0 =	rddreg [dreg:$0x0]  }
0x2: {  	s2 =	rddreg [dreg:$0x1];
	s1 =	srdreg.scid  }
0x3: {  	s10 =	stileid.u32;
	s4 =	rddreg [dreg:$0x2];
	s18 =	simm.s32 $0x1400  }
0x4: {  	s23 =	simm.s32 $0x1C00;
	s22 =	simm.s32 $0x2400;
	s28 =	simm.s32 $0x6400  }
0x5: {  	s11 =	simm.s32 $0x7400;
	s13 =	simm.s32 $0x7C00;
	s14 =	simm.s32 $0x8400  }
0x6: {  	s15 =	simm.s32 $0x8C00;
	s29 =	simm.s32 $0x9400;
	s16 =	simm.s32 $0x9C00  }
0x7: {  	s17 =	simm.s32 $0xA400;
	s12 =	simm.s32 $0xAC00;
	s31 =	simm.s32 $0xB400  }
0x8: {  	s19 =	simm.s32 $0x1;
	s20 =	simm.s32 $0x3;
	s30 =	simm.s32 $0x2  }
0x9: {  	s21 =	simm.s32 $0x4;
	s1 =	sand.u32 $0x1, s1;
	s3 =	sshll.u32 s10, $0x1  }
0xa: {  	s24 =	sshll.u32 s10, $0x12;
	s10 =	simm.s32 $0x5C00;
	s5 =	sor.u32 s1, s3  }
0xb: {  	s3 =	simm.s32 $0x0;
	s7 =	ssub.s32 $0x2, s1;
	s1 =	sshll.u32 s1, $0x11  }
0xc: {  	s6 =	smul.u32 $0x280, s5;
	[smem:$0x7FF] =	sst s3;
	s8 =	sshrl.u32 s7, $0x1  }
0xd: {  	s9 =	sshll.u32 s5, $0x11;
	s5 =	sadd.s32 $0x100, s2;
	_ =	strace $0x80000047  }
0xe: {  	s8 =	ssub.s32 s7, s8;
	s7 =	sadd.s32 $0x300, s2;
	s9 =	sadd.s32 s4, s9  }
0xf: {  	s0 =	sadd.s32 s6, s0;
	[dreg:$0x6] =	wrdreg s9;
	s25 =	sadd.s32 $0x1000, s9  }
0x10: {  	s6 =	sadd.s32 $0x200, s2;
	s26 =	smax.u32 s8, $0x1;
	[dreg:$0x7] =	wrdreg s25  }
0x11: {  	s9 =	simm.s32 $0x4C00;
	s0 =	sadd.s32 $0x400, s0;
	[dreg:$0x8] =	wrdreg s26  }
0x12: {  	s8 =	simm.s32 $0x6C00;
	[dreg:$0x5] =	wrdreg s0;
	s0 =	sadd.s32 s24, s4  }
0x13: {  	v2 =	vlaneseq.u32;
	s25 =	simm.s32 $0x4400;
	s26 =	simm.s32 $0x5400;
	s0 =	sadd.s32 s1, s0  }
0x14: {  	vm0 =	vmmov $0xffff;
	v1 =	vshrl.u32 v2, $0x3;
	s24 =	simm.s32 $0x3400;
	s1 =	simm.s32 $0x0;
	[dreg:$0x4] =	wrdreg s0  }
0x15: {  	v0 =	vand.u32 $0x7, v2;
	v2 =	vor.u32 $0x8, v2;
	v1 =	vmul.u32 $0x8, v1;
	s4 =	simm.s32 $0x3C00;
	s0 =	simm.s32 $0x2C00;
	[dreg:$0x9] =	wrdreg s1  }
.LBB2_1:
0x16: {  	s1 =	rddreg [dreg:$0x5]  }
0x17: {  	[tilespmem:s3], [sflag:$0x5] =	stream.linear.gather [hbm4b:s1+s3], $0x1080, $0x38;
	[tilespmem:$0x11400] =	vst v63  }
0x18: {  	s1 =	simm.s32 $0x5  }
0x19: {  	_ =	swait.ge [sflag:s1], $0x1080  }
0x1a: {  	[sflag:s1] =	ssyncset.done $0x0  }
0x1b: {  	[sflag:s1] =	ssyncadd.s32 $0xFFFFEF80  }
0x1c: {  	v3 =	vld [tilespmem:$0x0];
	_ =	sdelay $0x4  }
0x1d: {  	v4 =	vshll.u32 v3, $0x3  }
0x1e: {  	v3 =	vand.u32 $0x7, v3;
	v4 =	vand.u32 $0xFFFFFFC0, v4  }
0x1f: {  	v3 =	vor.u32 v3, v4  }
0x20: {  	v4 =	vperm.xlane v3, v0;
	_ =	sdelay $0x1  }
0x21: {  	v4 =	vadd.s32 v1, v4;
	_ =	sdelay $0x4  }
0x22: {  	[tilespmem:s18], [sflag:$0x1] =	stream.indirect_vreg.gather [hbm4b:s2+s3], $0x80, v4, vm0, $0xb8;
	[tilespmem:$0x11400] =	vst v63  }
0x23: {  	v3 =	vperm.xlane v3, v2  }
0x24: {  	[tilespmem:s23], [sflag:$0x1] =	stream.indirect_vreg.gather [hbm4b:s5+s3], $0x80, v4, vm0, $0xb8;
	[tilespmem:$0x11400] =	vst v63  }
0x25: {  	v3 =	vadd.s32 v1, v3  }
0x26: {  	[tilespmem:s22], [sflag:$0x1] =	stream.indirect_vreg.gather [hbm4b:s6+s3], $0x80, v4, vm0, $0xb8;
	[tilespmem:$0x11400] =	vst v63  }
0x27: {  	_ = 	snop  }
0x28: {  	[tilespmem:s0], [sflag:$0x1] =	stream.indirect_vreg.gather [hbm4b:s7+s3], $0x80, v4, vm0, $0xb8;
	[tilespmem:$0x11400] =	vst v63  }
0x29: {  	_ = 	snop  }
0x2a: {  	[tilespmem:s24], [sflag:$0x1] =	stream.indirect_vreg.gather [hbm4b:s2+s3], $0x80, v3, vm0, $0xb8;
	[tilespmem:$0x11400] =	vst v63  }
0x2b: {  	_ = 	snop  }
0x2c: {  	[tilespmem:s4], [sflag:$0x1] =	stream.indirect_vreg.gather [hbm4b:s5+s3], $0x80, v3, vm0, $0xb8;
	[tilespmem:$0x11400] =	vst v63  }
0x2d: {  	_ = 	snop  }
0x2e: {  	[tilespmem:s25], [sflag:$0x1] =	stream.indirect_vreg.gather [hbm4b:s6+s3], $0x80, v3, vm0, $0xb8;
	[tilespmem:$0x11400] =	vst v63  }
0x2f: {  	_ = 	snop  }
0x30: {  	[tilespmem:s9], [sflag:$0x1] =	stream.indirect_vreg.gather [hbm4b:s7+s3], $0x80, v3, vm0, $0xb8;
	[tilespmem:$0x11400] =	vst v63  }
0x31: {  	v3 =	vld [tilespmem:$0x10];
	_ =	sdelay $0x4  }
0x32: {  	v59 =	vshll.u32 v3, $0x3  }
0x33: {  	v3 =	vand.u32 $0x7, v3;
	v4 =	vand.u32 $0xFFFFFFC0, v59  }
0x34: {  	v3 =	vor.u32 v3, v4  }
0x35: {  	v4 =	vperm.xlane v3, v0;
	_ =	sdelay $0x1  }
0x36: {  	v4 =	vadd.s32 v1, v4;
	_ =	sdelay $0x4  }
0x37: {  	[tilespmem:s26], [sflag:$0x1] =	stream.indirect_vreg.gather [hbm4b:s2+s3], $0x80, v4, vm0, $0xb8;
	[tilespmem:$0x11400] =	vst v63  }
0x38: {  	v3 =	vperm.xlane v3, v2  }
0x39: {  	[tilespmem:s10], [sflag:$0x1] =	stream.indirect_vreg.gather [hbm4b:s5+s3], $0x80, v4, vm0, $0xb8;
	[tilespmem:$0x11400] =	vst v63  }
0x3a: {  	v3 =	vadd.s32 v1, v3  }
0x3b: {  	[tilespmem:s28], [sflag:$0x1] =	stream.indirect_vreg.gather [hbm4b:s6+s3], $0x80, v4, vm0, $0xb8;
	[tilespmem:$0x11400] =	vst v63  }
0x3c: {  	_ = 	snop  }
0x3d: {  	[tilespmem:s8], [sflag:$0x1] =	stream.indirect_vreg.gather [hbm4b:s7+s3], $0x80, v4, vm0, $0xb8;
	[tilespmem:$0x11400] =	vst v63  }
0x3e: {  	_ = 	snop  }
0x3f: {  	[tilespmem:s11], [sflag:$0x1] =	stream.indirect_vreg.gather [hbm4b:s2+s3], $0x80, v3, vm0, $0xb8;
	[tilespmem:$0x11400] =	vst v63  }
0x40: {  	_ = 	snop  }
0x41: {  	[tilespmem:s13], [sflag:$0x1] =	stream.indirect_vreg.gather [hbm4b:s5+s3], $0x80, v3, vm0, $0xb8;
	[tilespmem:$0x11400] =	vst v63  }
0x42: {  	_ = 	snop  }
0x43: {  	[tilespmem:s14], [sflag:$0x1] =	stream.indirect_vreg.gather [hbm4b:s6+s3], $0x80, v3, vm0, $0xb8;
	[tilespmem:$0x11400] =	vst v63  }
0x44: {  	_ = 	snop  }
0x45: {  	[tilespmem:s15], [sflag:$0x1] =	stream.indirect_vreg.gather [hbm4b:s7+s3], $0x80, v3, vm0, $0xb8;
	[tilespmem:$0x11400] =	vst v63  }
0x46: {  	v3 =	vld [tilespmem:$0x80];
	_ =	sdelay $0x4  }
0x47: {  	v60 =	vshll.u32 v3, $0x3  }
0x48: {  	v3 =	vand.u32 $0x7, v3;
	v4 =	vand.u32 $0xFFFFFFC0, v60  }
0x49: {  	v3 =	vor.u32 v3, v4  }
0x4a: {  	v4 =	vperm.xlane v3, v0;
	_ =	sdelay $0x1  }
0x4b: {  	v4 =	vadd.s32 v1, v4;
	_ =	sdelay $0x4  }
0x4c: {  	[tilespmem:s29], [sflag:$0x2] =	stream.indirect_vreg.gather [hbm4b:s2+s3], $0x80, v4, vm0, $0xb8;
	[tilespmem:$0x11400] =	vst v63  }
0x4d: {  	v3 =	vperm.xlane v3, v2  }
0x4e: {  	[tilespmem:s16], [sflag:$0x2] =	stream.indirect_vreg.gather [hbm4b:s5+s3], $0x80, v4, vm0, $0xb8;
	[tilespmem:$0x11400] =	vst v63  }
0x4f: {  	v3 =	vadd.s32 v1, v3  }
0x50: {  	[tilespmem:s17], [sflag:$0x2] =	stream.indirect_vreg.gather [hbm4b:s6+s3], $0x80, v4, vm0, $0xb8;
	[tilespmem:$0x11400] =	vst v63  }
0x51: {  	_ = 	snop  }
0x52: {  	[tilespmem:s12], [sflag:$0x2] =	stream.indirect_vreg.gather [hbm4b:s7+s3], $0x80, v4, vm0, $0xb8;
	[tilespmem:$0x11400] =	vst v63  }
0x53: {  	_ = 	snop  }
0x54: {  	[tilespmem:s31], [sflag:$0x2] =	stream.indirect_vreg.gather [hbm4b:s2+s3], $0x80, v3, vm0, $0xb8;
	[tilespmem:$0x11400] =	vst v63  }
0x55: {  	s12 =	simm.s32 $0xBC00  }
0x56: {  	[tilespmem:s12], [sflag:$0x2] =	stream.indirect_vreg.gather [hbm4b:s5+s3], $0x80, v3, vm0, $0xb8;
	[tilespmem:$0x11400] =	vst v63  }
0x57: {  	s16 =	simm.s32 $0xC400  }
0x58: {  	[tilespmem:s16], [sflag:$0x2] =	stream.indirect_vreg.gather [hbm4b:s6+s3], $0x80, v3, vm0, $0xb8;
	[tilespmem:$0x11400] =	vst v63  }
0x59: {  	s17 =	simm.s32 $0xCC00  }
0x5a: {  	[tilespmem:s17], [sflag:$0x2] =	stream.indirect_vreg.gather [hbm4b:s7+s3], $0x80, v3, vm0, $0xb8;
	[tilespmem:$0x11400] =	vst v63  }
0x5b: {  	v3 =	vld [tilespmem:$0x90];
	_ =	sdelay $0x4  }
0x5c: {  	v61 =	vshll.u32 v3, $0x3  }
0x5d: {  	v3 =	vand.u32 $0x7, v3;
	v4 =	vand.u32 $0xFFFFFFC0, v61  }
0x5e: {  	v3 =	vor.u32 v3, v4  }
0x5f: {  	v4 =	vperm.xlane v3, v0;
	_ =	sdelay $0x1  }
0x60: {  	v4 =	vadd.s32 v1, v4;
	_ =	sdelay $0x3  }
0x61: {  	s12 =	simm.s32 $0xD400  }
0x62: {  	[tilespmem:s12], [sflag:$0x2] =	stream.indirect_vreg.gather [hbm4b:s2+s3], $0x80, v4, vm0, $0xb8;
	[tilespmem:$0x11400] =	vst v63  }
0x63: {  	s16 =	simm.s32 $0xDC00;
	v3 =	vperm.xlane v3, v2  }
0x64: {  	[tilespmem:s16], [sflag:$0x2] =	stream.indirect_vreg.gather [hbm4b:s5+s3], $0x80, v4, vm0, $0xb8;
	[tilespmem:$0x11400] =	vst v63  }
0x65: {  	s17 =	simm.s32 $0xE400;
	v3 =	vadd.s32 v1, v3  }
0x66: {  	[tilespmem:s17], [sflag:$0x2] =	stream.indirect_vreg.gather [hbm4b:s6+s3], $0x80, v4, vm0, $0xb8;
	[tilespmem:$0x11400] =	vst v63  }
0x67: {  	s12 =	simm.s32 $0xEC00  }
0x68: {  	[tilespmem:s12], [sflag:$0x2] =	stream.indirect_vreg.gather [hbm4b:s7+s3], $0x80, v4, vm0, $0xb8;
	[tilespmem:$0x11400] =	vst v63  }
0x69: {  	s16 =	simm.s32 $0xF400  }
0x6a: {  	[tilespmem:s16], [sflag:$0x2] =	stream.indirect_vreg.gather [hbm4b:s2+s3], $0x80, v3, vm0, $0xb8;
	[tilespmem:$0x11400] =	vst v63  }
0x6b: {  	s17 =	simm.s32 $0xFC00  }
0x6c: {  	[tilespmem:s17], [sflag:$0x2] =	stream.indirect_vreg.gather [hbm4b:s5+s3], $0x80, v3, vm0, $0xb8;
	[tilespmem:$0x11400] =	vst v63  }
0x6d: {  	s12 =	simm.s32 $0x10400  }
0x6e: {  	[tilespmem:s12], [sflag:$0x2] =	stream.indirect_vreg.gather [hbm4b:s6+s3], $0x80, v3, vm0, $0xb8;
	[tilespmem:$0x11400] =	vst v63  }
0x6f: {  	s16 =	simm.s32 $0x10C00  }
0x70: {  	[tilespmem:s16], [sflag:$0x2] =	stream.indirect_vreg.gather [hbm4b:s7+s3], $0x80, v3, vm0, $0xb8;
	[tilespmem:$0x11400] =	vst v63  }
0x71: {  	_ =	swait.ge [sflag:s19], $0x8000  }
0x72: {  	[sflag:s19] =	ssyncset.done $0x0  }
0x73: {  	s17 =	rddreg [dreg:$0x6];
	[sflag:s19] =	ssyncadd.s32 $0xFFFF8000  }
0x74: {  	[hbm4b:s17+s3] =	stream.linear.scatter [tilespmem:s18], [sflag:$0x3], $0x8000, $0x38;
	[tilespmem:$0x11400] =	vst v63  }
0x75: {  	_ =	swait.ge [sflag:s20], $0x8000  }
0x76: {  	[sflag:s20] =	ssyncset.done $0x0  }
0x77: {  	[sflag:s20] =	ssyncadd.s32 $0xFFFF8000  }
0x78: {  	v3 =	vld [tilespmem:$0x100];
	_ =	sdelay $0x4  }
0x79: {  	v62 =	vshll.u32 v3, $0x3  }
0x7a: {  	v3 =	vand.u32 $0x7, v3;
	v4 =	vand.u32 $0xFFFFFFC0, v62  }
0x7b: {  	v3 =	vor.u32 v3, v4  }
0x7c: {  	v4 =	vperm.xlane v3, v0;
	_ =	sdelay $0x1  }
0x7d: {  	v4 =	vadd.s32 v1, v4;
	_ =	sdelay $0x4  }
0x7e: {  	[tilespmem:s18], [sflag:$0x1] =	stream.indirect_vreg.gather [hbm4b:s2+s3], $0x80, v4, vm0, $0xb8;
	[tilespmem:$0x11400] =	vst v63  }
0x7f: {  	v3 =	vperm.xlane v3, v2  }
0x80: {  	[tilespmem:s23], [sflag:$0x1] =	stream.indirect_vreg.gather [hbm4b:s5+s3], $0x80, v4, vm0, $0xb8;
	[tilespmem:$0x11400] =	vst v63  }
0x81: {  	v3 =	vadd.s32 v1, v3  }
0x82: {  	[tilespmem:s22], [sflag:$0x1] =	stream.indirect_vreg.gather [hbm4b:s6+s3], $0x80, v4, vm0, $0xb8;
	[tilespmem:$0x11400] =	vst v63  }
0x83: {  	_ = 	snop  }
0x84: {  	[tilespmem:s0], [sflag:$0x1] =	stream.indirect_vreg.gather [hbm4b:s7+s3], $0x80, v4, vm0, $0xb8;
	[tilespmem:$0x11400] =	vst v63  }
0x85: {  	_ = 	snop  }
0x86: {  	[tilespmem:s24], [sflag:$0x1] =	stream.indirect_vreg.gather [hbm4b:s2+s3], $0x80, v3, vm0, $0xb8;
	[tilespmem:$0x11400] =	vst v63  }
0x87: {  	_ = 	snop  }
0x88: {  	[tilespmem:s4], [sflag:$0x1] =	stream.indirect_vreg.gather [hbm4b:s5+s3], $0x80, v3, vm0, $0xb8;
	[tilespmem:$0x11400] =	vst v63  }
0x89: {  	_ = 	snop  }
0x8a: {  	[tilespmem:s25], [sflag:$0x1] =	stream.indirect_vreg.gather [hbm4b:s6+s3], $0x80, v3, vm0, $0xb8;
	[tilespmem:$0x11400] =	vst v63  }
0x8b: {  	_ = 	snop  }
0x8c: {  	[tilespmem:s9], [sflag:$0x1] =	stream.indirect_vreg.gather [hbm4b:s7+s3], $0x80, v3, vm0, $0xb8;
	[tilespmem:$0x11400] =	vst v63  }
0x8d: {  	v3 =	vld [tilespmem:$0x110];
	_ =	sdelay $0x4  }
0x8e: {  	v63 =	vshll.u32 v3, $0x3  }
0x8f: {  	v3 =	vand.u32 $0x7, v3;
	v4 =	vand.u32 $0xFFFFFFC0, v63  }
0x90: {  	v3 =	vor.u32 v3, v4  }
0x91: {  	v4 =	vperm.xlane v3, v0;
	_ =	sdelay $0x1  }
0x92: {  	v4 =	vadd.s32 v1, v4;
	_ =	sdelay $0x4  }
0x93: {  	[tilespmem:s26], [sflag:$0x1] =	stream.indirect_vreg.gather [hbm4b:s2+s3], $0x80, v4, vm0, $0xb8;
	[tilespmem:$0x11400] =	vst v63  }
0x94: {  	v3 =	vperm.xlane v3, v2  }
0x95: {  	[tilespmem:s10], [sflag:$0x1] =	stream.indirect_vreg.gather [hbm4b:s5+s3], $0x80, v4, vm0, $0xb8;
	[tilespmem:$0x11400] =	vst v63  }
0x96: {  	v3 =	vadd.s32 v1, v3  }
0x97: {  	[tilespmem:s28], [sflag:$0x1] =	stream.indirect_vreg.gather [hbm4b:s6+s3], $0x80, v4, vm0, $0xb8;
	[tilespmem:$0x11400] =	vst v63  }
0x98: {  	_ = 	snop  }
0x99: {  	[tilespmem:s8], [sflag:$0x1] =	stream.indirect_vreg.gather [hbm4b:s7+s3], $0x80, v4, vm0, $0xb8;
	[tilespmem:$0x11400] =	vst v63  }
0x9a: {  	s31 =	simm.s32 $0xFFFE2000;
	s12 =	simm.s32 $0xAC00  }
0x9b: {  	[tilespmem:s11], [sflag:$0x1] =	stream.indirect_vreg.gather [hbm4b:s2+s3], $0x80, v3, vm0, $0xb8;
	[tilespmem:$0x11400] =	vst v63  }
0x9c: {  	s16 =	simm.s32 $0x8C00;
	s17 =	simm.s32 $0x9C00;
	s18 =	simm.s32 $0xA400  }
0x9d: {  	[tilespmem:s13], [sflag:$0x1] =	stream.indirect_vreg.gather [hbm4b:s5+s3], $0x80, v3, vm0, $0xb8;
	[tilespmem:$0x11400] =	vst v63  }
0x9e: {  	s22 =	simm.s32 $0x210;
	s0 =	simm.s32 $0x2400;
	s24 =	simm.s32 $0x2C00  }
0x9f: {  	[tilespmem:s14], [sflag:$0x1] =	stream.indirect_vreg.gather [hbm4b:s6+s3], $0x80, v3, vm0, $0xb8;
	[tilespmem:$0x11400] =	vst v63  }
0xa0: {  	s4 =	simm.s32 $0x3400;
	s25 =	simm.s32 $0x3C00;
	s9 =	simm.s32 $0x4400  }
0xa1: {  	[tilespmem:s15], [sflag:$0x1] =	stream.indirect_vreg.gather [hbm4b:s7+s3], $0x80, v3, vm0, $0xb8;
	[tilespmem:$0x11400] =	vst v63  }
0xa2: {  	s10 =	simm.s32 $0x5400;
	s28 =	simm.s32 $0x5C00;
	_ =	swait.ge [sflag:s30], $0x8000  }
0xa3: {  	s8 =	simm.s32 $0x6400;
	s11 =	simm.s32 $0x9400;
	[sflag:s30] =	ssyncset.done $0x0  }
0xa4: {  	s13 =	simm.s32 $0x7400;
	s26 =	rddreg [dreg:$0x7];
	[sflag:s30] =	ssyncadd.s32 $0xFFFF8000  }
0xa5: {  	[hbm4b:s26+s3] =	stream.linear.scatter [tilespmem:s29], [sflag:$0x4], $0x8000, $0x38;
	[tilespmem:$0x11400] =	vst v63  }
0xa6: {  	s15 =	simm.s32 $0x8400;
	s29 =	simm.s32 $0x1400;
	s26 =	simm.s32 $0x4C00  }
.LBB2_2:
0xa7: {  	_ =	swait.ge [sflag:s21], $0x8000  }
0xa8: {  	[sflag:s21] =	ssyncset.done $0x0  }
0xa9: {  	[sflag:s21] =	ssyncadd.s32 $0xFFFF8000  }
0xaa: {  	v3 =	vld [tilespmem:s22+$0xFFFFFF70];
	_ =	sdelay $0x4  }
0xab: {  	v4 =	vshll.u32 v3, $0x3  }
0xac: {  	v3 =	vand.u32 $0x7, v3;
	v4 =	vand.u32 $0xFFFFFFC0, v4  }
0xad: {  	v3 =	vor.u32 v3, v4  }
0xae: {  	v4 =	vperm.xlane v3, v0;
	_ =	sdelay $0x1  }
0xaf: {  	v4 =	vadd.s32 v1, v4;
	_ =	sdelay $0x4  }
0xb0: {  	[tilespmem:s11], [sflag:$0x2] =	stream.indirect_vreg.gather [hbm4b:s2+s3], $0x80, v4, vm0, $0xb8;
	[tilespmem:$0x11400] =	vst v63  }
0xb1: {  	v3 =	vperm.xlane v3, v2  }
0xb2: {  	[tilespmem:s17], [sflag:$0x2] =	stream.indirect_vreg.gather [hbm4b:s5+s3], $0x80, v4, vm0, $0xb8;
	[tilespmem:$0x11400] =	vst v63  }
0xb3: {  	v3 =	vadd.s32 v1, v3  }
0xb4: {  	[tilespmem:s18], [sflag:$0x2] =	stream.indirect_vreg.gather [hbm4b:s6+s3], $0x80, v4, vm0, $0xb8;
	[tilespmem:$0x11400] =	vst v63  }
0xb5: {  	_ = 	snop  }
0xb6: {  	[tilespmem:s12], [sflag:$0x2] =	stream.indirect_vreg.gather [hbm4b:s7+s3], $0x80, v4, vm0, $0xb8;
	[tilespmem:$0x11400] =	vst v63  }
0xb7: {  	s1 =	simm.s32 $0xB400  }
0xb8: {  	[tilespmem:s1], [sflag:$0x2] =	stream.indirect_vreg.gather [hbm4b:s2+s3], $0x80, v3, vm0, $0xb8;
	[tilespmem:$0x11400] =	vst v63  }
0xb9: {  	s14 =	simm.s32 $0xBC00  }
0xba: {  	[tilespmem:s14], [sflag:$0x2] =	stream.indirect_vreg.gather [hbm4b:s5+s3], $0x80, v3, vm0, $0xb8;
	[tilespmem:$0x11400] =	vst v63  }
0xbb: {  	s23 =	simm.s32 $0xC400  }
0xbc: {  	[tilespmem:s23], [sflag:$0x2] =	stream.indirect_vreg.gather [hbm4b:s6+s3], $0x80, v3, vm0, $0xb8;
	[tilespmem:$0x11400] =	vst v63  }
0xbd: {  	s14 =	simm.s32 $0xCC00  }
0xbe: {  	[tilespmem:s14], [sflag:$0x2] =	stream.indirect_vreg.gather [hbm4b:s7+s3], $0x80, v3, vm0, $0xb8;
	[tilespmem:$0x11400] =	vst v63  }
0xbf: {  	v3 =	vld [tilespmem:s22+$0xFFFFFF80];
	_ =	sdelay $0x4  }
0xc0: {  	v61 =	vshll.u32 v3, $0x3  }
0xc1: {  	v3 =	vand.u32 $0x7, v3;
	v4 =	vand.u32 $0xFFFFFFC0, v61  }
0xc2: {  	v3 =	vor.u32 v3, v4  }
0xc3: {  	v4 =	vperm.xlane v3, v0;
	_ =	sdelay $0x1  }
0xc4: {  	v4 =	vadd.s32 v1, v4;
	_ =	sdelay $0x3  }
0xc5: {  	s23 =	simm.s32 $0xD400  }
0xc6: {  	[tilespmem:s23], [sflag:$0x2] =	stream.indirect_vreg.gather [hbm4b:s2+s3], $0x80, v4, vm0, $0xb8;
	[tilespmem:$0x11400] =	vst v63  }
0xc7: {  	s14 =	simm.s32 $0xDC00;
	v3 =	vperm.xlane v3, v2  }
0xc8: {  	[tilespmem:s14], [sflag:$0x2] =	stream.indirect_vreg.gather [hbm4b:s5+s3], $0x80, v4, vm0, $0xb8;
	[tilespmem:$0x11400] =	vst v63  }
0xc9: {  	v3 =	vadd.s32 v1, v3;
	s23 =	simm.s32 $0xE400  }
0xca: {  	[tilespmem:s23], [sflag:$0x2] =	stream.indirect_vreg.gather [hbm4b:s6+s3], $0x80, v4, vm0, $0xb8;
	[tilespmem:$0x11400] =	vst v63  }
0xcb: {  	s14 =	simm.s32 $0xEC00  }
0xcc: {  	[tilespmem:s14], [sflag:$0x2] =	stream.indirect_vreg.gather [hbm4b:s7+s3], $0x80, v4, vm0, $0xb8;
	[tilespmem:$0x11400] =	vst v63  }
0xcd: {  	s23 =	simm.s32 $0xF400  }
0xce: {  	[tilespmem:s23], [sflag:$0x2] =	stream.indirect_vreg.gather [hbm4b:s2+s3], $0x80, v3, vm0, $0xb8;
	[tilespmem:$0x11400] =	vst v63  }
0xcf: {  	s14 =	simm.s32 $0xFC00  }
0xd0: {  	[tilespmem:s14], [sflag:$0x2] =	stream.indirect_vreg.gather [hbm4b:s5+s3], $0x80, v3, vm0, $0xb8;
	[tilespmem:$0x11400] =	vst v63  }
0xd1: {  	s23 =	simm.s32 $0x10400  }
0xd2: {  	[tilespmem:s23], [sflag:$0x2] =	stream.indirect_vreg.gather [hbm4b:s6+s3], $0x80, v3, vm0, $0xb8;
	[tilespmem:$0x11400] =	vst v63  }
0xd3: {  	s14 =	simm.s32 $0x10C00  }
0xd4: {  	[tilespmem:s14], [sflag:$0x2] =	stream.indirect_vreg.gather [hbm4b:s7+s3], $0x80, v3, vm0, $0xb8;
	[tilespmem:$0x11400] =	vst v63  }
0xd5: {  	_ =	swait.ge [sflag:s19], $0x8000  }
0xd6: {  	s23 =	rddreg [dreg:$0x4]  }
0xd7: {  	[sflag:s19] =	ssyncset.done $0x0;
	s1 =	sadd.s32 s31, s23  }
0xd8: {  	[sflag:s19] =	ssyncadd.s32 $0xFFFF8000;
	s23 =	sadd.s32 $0x20000, s1  }
0xd9: {  	[hbm4b:s23+s3] =	stream.linear.scatter [tilespmem:s29], [sflag:$0x3], $0x8000, $0x38;
	[tilespmem:$0x11400] =	vst v63  }
0xda: {  	_ =	swait.ge [sflag:s20], $0x8000  }
0xdb: {  	[sflag:s20] =	ssyncset.done $0x0  }
0xdc: {  	[sflag:s20] =	ssyncadd.s32 $0xFFFF8000  }
0xdd: {  	v3 =	vld [tilespmem:s22+$0xFFFFFFF0];
	_ =	sdelay $0x4  }
0xde: {  	v62 =	vshll.u32 v3, $0x3  }
0xdf: {  	v3 =	vand.u32 $0x7, v3;
	v4 =	vand.u32 $0xFFFFFFC0, v62  }
0xe0: {  	v3 =	vor.u32 v3, v4  }
0xe1: {  	v4 =	vperm.xlane v3, v0;
	_ =	sdelay $0x1  }
0xe2: {  	v4 =	vadd.s32 v1, v4;
	_ =	sdelay $0x4  }
0xe3: {  	[tilespmem:s29], [sflag:$0x1] =	stream.indirect_vreg.gather [hbm4b:s2+s3], $0x80, v4, vm0, $0xb8;
	[tilespmem:$0x11400] =	vst v63  }
0xe4: {  	s23 =	simm.s32 $0x1C00;
	v3 =	vperm.xlane v3, v2  }
0xe5: {  	[tilespmem:s23], [sflag:$0x1] =	stream.indirect_vreg.gather [hbm4b:s5+s3], $0x80, v4, vm0, $0xb8;
	[tilespmem:$0x11400] =	vst v63  }
0xe6: {  	v3 =	vadd.s32 v1, v3  }
0xe7: {  	[tilespmem:s0], [sflag:$0x1] =	stream.indirect_vreg.gather [hbm4b:s6+s3], $0x80, v4, vm0, $0xb8;
	[tilespmem:$0x11400] =	vst v63  }
0xe8: {  	_ = 	snop  }
0xe9: {  	[tilespmem:s24], [sflag:$0x1] =	stream.indirect_vreg.gather [hbm4b:s7+s3], $0x80, v4, vm0, $0xb8;
	[tilespmem:$0x11400] =	vst v63  }
0xea: {  	_ = 	snop  }
0xeb: {  	[tilespmem:s4], [sflag:$0x1] =	stream.indirect_vreg.gather [hbm4b:s2+s3], $0x80, v3, vm0, $0xb8;
	[tilespmem:$0x11400] =	vst v63  }
0xec: {  	_ = 	snop  }
0xed: {  	[tilespmem:s25], [sflag:$0x1] =	stream.indirect_vreg.gather [hbm4b:s5+s3], $0x80, v3, vm0, $0xb8;
	[tilespmem:$0x11400] =	vst v63  }
0xee: {  	_ = 	snop  }
0xef: {  	[tilespmem:s9], [sflag:$0x1] =	stream.indirect_vreg.gather [hbm4b:s6+s3], $0x80, v3, vm0, $0xb8;
	[tilespmem:$0x11400] =	vst v63  }
0xf0: {  	_ = 	snop  }
0xf1: {  	[tilespmem:s26], [sflag:$0x1] =	stream.indirect_vreg.gather [hbm4b:s7+s3], $0x80, v3, vm0, $0xb8;
	[tilespmem:$0x11400] =	vst v63  }
0xf2: {  	v3 =	vld [tilespmem:s22+$0x0];
	_ =	sdelay $0x4  }
0xf3: {  	v63 =	vshll.u32 v3, $0x3  }
0xf4: {  	v3 =	vand.u32 $0x7, v3;
	v4 =	vand.u32 $0xFFFFFFC0, v63  }
0xf5: {  	v3 =	vor.u32 v3, v4  }
0xf6: {  	v4 =	vperm.xlane v3, v0;
	_ =	sdelay $0x1  }
0xf7: {  	v4 =	vadd.s32 v1, v4;
	_ =	sdelay $0x4  }
0xf8: {  	[tilespmem:s10], [sflag:$0x1] =	stream.indirect_vreg.gather [hbm4b:s2+s3], $0x80, v4, vm0, $0xb8;
	[tilespmem:$0x11400] =	vst v63  }
0xf9: {  	v3 =	vperm.xlane v3, v2  }
0xfa: {  	[tilespmem:s28], [sflag:$0x1] =	stream.indirect_vreg.gather [hbm4b:s5+s3], $0x80, v4, vm0, $0xb8;
	[tilespmem:$0x11400] =	vst v63  }
0xfb: {  	v3 =	vadd.s32 v1, v3  }
0xfc: {  	[tilespmem:s8], [sflag:$0x1] =	stream.indirect_vreg.gather [hbm4b:s6+s3], $0x80, v4, vm0, $0xb8;
	[tilespmem:$0x11400] =	vst v63  }
0xfd: {  	s14 =	simm.s32 $0x6C00  }
0xfe: {  	[tilespmem:s14], [sflag:$0x1] =	stream.indirect_vreg.gather [hbm4b:s7+s3], $0x80, v4, vm0, $0xb8;
	[tilespmem:$0x11400] =	vst v63  }
0xff: {  	_ = 	snop  }
0x100: {  	[tilespmem:s13], [sflag:$0x1] =	stream.indirect_vreg.gather [hbm4b:s2+s3], $0x80, v3, vm0, $0xb8;
	[tilespmem:$0x11400] =	vst v63  }
0x101: {  	s14 =	simm.s32 $0x7C00  }
0x102: {  	[tilespmem:s14], [sflag:$0x1] =	stream.indirect_vreg.gather [hbm4b:s5+s3], $0x80, v3, vm0, $0xb8;
	[tilespmem:$0x11400] =	vst v63  }
0x103: {  	_ = 	snop  }
0x104: {  	[tilespmem:s15], [sflag:$0x1] =	stream.indirect_vreg.gather [hbm4b:s6+s3], $0x80, v3, vm0, $0xb8;
	[tilespmem:$0x11400] =	vst v63  }
0x105: {  	p0 =	sne.s32 s31, $0xFFFFE000  }
0x106: {  	[tilespmem:s16], [sflag:$0x1] =	stream.indirect_vreg.gather [hbm4b:s7+s3], $0x80, v3, vm0, $0xb8;
	[tilespmem:$0x11400] =	vst v63  }
.Ltmp0:
0x107: {  	_ = 	snop;
	(pc) =	sbr.rel @p0 .LBB2_2-.Ltmp0, $4  }
0x108: {  	_ =	swait.ge [sflag:s30], $0x8000  }
0x109: {  	s31 =	sadd.s32 $0x2000, s31;
	[sflag:s30] =	ssyncset.done $0x0  }
0x10a: {  	s1 =	sadd.s32 $0x21000, s1;
	s22 =	sadd.s32 $0x100, s22;
	[sflag:s30] =	ssyncadd.s32 $0xFFFF8000  }
0x10b: {  	[hbm4b:s1+s3] =	stream.linear.scatter [tilespmem:s11], [sflag:$0x4], $0x8000, $0x38;
	[tilespmem:$0x11400] =	vst v63  }
0x10c: {  	_ =	swait.ge [sflag:s21], $0x8000  }
0x10d: {  	[sflag:s21] =	ssyncset.done $0x0  }
0x10e: {  	s22 =	simm.s32 $0x2400;
	s24 =	simm.s32 $0x3400;
	[sflag:s21] =	ssyncadd.s32 $0xFFFF8000  }
0x10f: {  	s4 =	simm.s32 $0x3C00;
	s25 =	simm.s32 $0x4400;
	_ =	swait.ge [sflag:s19], $0x8000  }
0x110: {  	s9 =	simm.s32 $0x4C00;
	s26 =	simm.s32 $0x5400;
	s0 =	rddreg [dreg:$0x9]  }
0x111: {  	s10 =	simm.s32 $0x5C00;
	s1 =	rddreg [dreg:$0x8];
	s0 =	sadd.s32 $0x1, s0  }
0x112: {  	s28 =	simm.s32 $0x6400;
	s8 =	simm.s32 $0x6C00;
	p0 =	sne.s32 s0, s1  }
.Ltmp1:
0x113: {  	s11 =	simm.s32 $0x7400;
	s13 =	simm.s32 $0x7C00;
	(pc) =	sbr.rel @p0 .LBB2_1-.Ltmp1, $4  }
0x114: {  	s14 =	simm.s32 $0x8400;
	s15 =	simm.s32 $0x8C00;
	s16 =	simm.s32 $0x9C00  }
0x115: {  	s17 =	simm.s32 $0xA400;
	s12 =	simm.s32 $0xAC00;
	s18 =	simm.s32 $0x1400  }
0x116: {  	s29 =	simm.s32 $0x9400;
	s31 =	simm.s32 $0xB400;
	[sflag:s19] =	ssyncset.done $0x0  }
0x117: {  	[sflag:s19] =	ssyncadd.s32 $0xFFFF8000;
	[dreg:$0x9] =	wrdreg s0;
	s0 =	simm.s32 $0x2C00  }
0x118: {  	_ =	sfence.sel $0x180000  }
0x119: {  	[bflag:$0x0] =	sbarrier.arrive $0xFFFF  }
0x11a: {  	_ =	strace $0x90000047  }
0x11b: {  	s0 =	stileid.u32;
	[bflag:$0x2] =	sbarrier.arrive $0xFFFF  }
0x11c: {  	p0 =	sne.s32 s0, $0x0;
	s0 =	rddreg [dreg:$0x3]  }
0x11d: {  	s0 =	sadd.s32 @!p0 $0x100000, s0  }
0x11e: {  	[sflag:s0] =	ssyncadd.tile.s32 @!p0 $0x1;
	_ =	shalt  }
.Lfunc_end2:
_tile_overlayer_lowered:
.L_overlay_start_2:
0x11f: {  	(tag) =	ssettag $0x2  }
0x120: {  	s0 =	rddreg [dreg:$0x0];
	s2 =	stileid.u32  }
0x121: {  	s1 =	rddreg [dreg:$0x1];
	p0 =	sne.s32 s2, $0x0  }
0x122: {  	s3 =	rddreg [dreg:$0x2];
	[bflag:$0x3] =	sbarrier.arrive $0xFFFF;
	s2 =	simm.s32 @!p0 $0x1C05  }
0x123: {  	[timem:s3], [sflag:s2] =	dma.local @!p0 [hbm:s0], s1  }
0x124: {  	s0 =	simm.s32 @!p0 $0x5  }
0x125: {  	_ =	swait.ge @!p0 [sflag:s0], s1  }
0x126: {  	s1 =	ssub.s32 @!p0 $0x0, s1;
	[sflag:s0] =	ssyncset.done @!p0 $0x0  }
0x127: {  	[sflag:s0] =	ssyncadd.s32 @!p0 s1  }
0x128: {  	[bflag:$0x3] =	sbarrier.arrive $0xFFFF  }
0x129: {  	_ =	shalt  }

</sc_bundles>
